<compile_context>
chip_gen: v7x
topology: tpu7x:2x2x1
jax: 0.10.2.dev20260603
libtpu: 0.0.44.dev20260713+nightly
codegen_flags: <defaults>
</compile_context>

<pallas_src>
import functools

import jax
import jax.numpy as jnp
from jax import lax
from jax.experimental import pallas as pl
from jax.experimental.pallas import tpu as pltpu
from jax.experimental.pallas import tpu_sc as plsc


_NBUF = 3


def _make_sc_broadcast(B, S, C, n_cores, n_subcores, chunk):
    n_workers = n_cores * n_subcores
    rows_per_w = S // n_workers
    n_chunks = rows_per_w // chunk
    mesh = plsc.VectorSubcoreMesh(core_axis_name="c", subcore_axis_name="s")

    @functools.partial(
        pl.kernel,
        mesh=mesh,
        out_type=jax.ShapeDtypeStruct((B, S, C), jnp.float32),
        scratch_types=(
            [pltpu.VMEM((chunk, C), jnp.float32)] * _NBUF
            + [pltpu.SemaphoreType.DMA] * (2 * _NBUF)
        ),
    )
    def sc_broadcast(pe_hbm, out_hbm, *scratch):
        bufs = scratch[:_NBUF]
        lsems = scratch[_NBUF : 2 * _NBUF]
        ssems = scratch[2 * _NBUF :]
        wid = lax.axis_index("s") * n_cores + lax.axis_index("c")
        base = wid * rows_per_w

        loads = [None] * _NBUF
        stores = [None] * _NBUF

        def start_load(k):
            j = k % _NBUF
            loads[j] = pltpu.async_copy(
                pe_hbm.at[pl.ds(base + k * chunk, chunk)], bufs[j], lsems[j]
            )

        def start_stores(k):
            j = k % _NBUF
            stores[j] = [
                pltpu.async_copy(
                    bufs[j],
                    out_hbm.at[b, pl.ds(base + k * chunk, chunk)],
                    ssems[j],
                )
                for b in range(B)
            ]

        def drain_stores(j):
            if stores[j] is not None:
                for cp in stores[j]:
                    cp.wait()
                stores[j] = None

        start_load(0)
        for k in range(n_chunks):
            loads[k % _NBUF].wait()
            start_stores(k)
            if k + 1 < n_chunks:
                drain_stores((k + 1) % _NBUF)
                start_load(k + 1)
        for j in range(_NBUF):
            drain_stores(j)

    return sc_broadcast


def kernel(x_bs_c, pe):
    B, S, C = x_bs_c.shape
    try:
        info = plsc.get_sparse_core_info()
        n_cores, n_subcores = info.num_cores, info.num_subcores
    except Exception:
        n_cores, n_subcores = 2, 16
    chunk = 32
    assert S % (n_cores * n_subcores * chunk) == 0
    return _make_sc_broadcast(B, S, C, n_cores, n_subcores, chunk)(pe)

# --- scband reference (transcript-rebuilt; emitter-appended) ---
"""Pipeline reference for scband-position-embedding-learned1-d-33861522162046 (READ-ONLY COPY).

The authoritative reference and input builder live on the scoring server;
editing this copy changes nothing except your own understanding.
"""

import jax, jax.numpy as jnp
import numpy as np

D_MODEL = 1024
MAX_LEN = 8192
B, S = 4, 8192

def setup_inputs(seed: int = 0) -> dict:
    key = jax.random.key(seed)
    k_x, k_pe = jax.random.split(key)
    x_bs_c = jax.random.normal(k_x, (B, S, D_MODEL), dtype=jnp.float32)
    pe = jax.random.normal(k_pe, (MAX_LEN, D_MODEL), dtype=jnp.float32) * 0.02
    return {"x_bs_c": x_bs_c, "pe": pe}

def reference(x_bs_c, pe):
    Bq, Sq, Cq = x_bs_c.shape
    idx = jnp.arange(Sq, dtype=jnp.int32)
    pos = jnp.take(pe, idx, axis=0)  # (S, C) embedding gather
    pos = jnp.broadcast_to(pos[None, :, :], (Bq, Sq, Cq))
    return pos

if __name__ == "__main__":
    import jax
    _d = setup_inputs()
    print(jax.jit(kernel)(*tuple(_d.values())))

</pallas_src>

<mosaic_0001>
#map = affine_map<(d0, d1) -> (0, 0)>
#map1 = affine_map<(d0, d1) -> (0, 0, 0)>
module attributes {stable_mosaic.version = 14 : i64} {
  func.func @sc_broadcast(%arg0: i32, %arg1: i32, %arg2: memref<8192x1024xf32, #tpu.memory_space<hbm>>, %arg3: memref<4x8192x1024xf32, #tpu.memory_space<hbm>>, %arg4: memref<32x1024xf32, #tpu.memory_space<vmem>>, %arg5: memref<32x1024xf32, #tpu.memory_space<vmem>>, %arg6: memref<32x1024xf32, #tpu.memory_space<vmem>>, %arg7: memref<!tpu.dma_semaphore, #tpu.memory_space<semaphore_mem>>, %arg8: memref<!tpu.dma_semaphore, #tpu.memory_space<semaphore_mem>>, %arg9: memref<!tpu.dma_semaphore, #tpu.memory_space<semaphore_mem>>, %arg10: memref<!tpu.dma_semaphore, #tpu.memory_space<semaphore_mem>>, %arg11: memref<!tpu.dma_semaphore, #tpu.memory_space<semaphore_mem>>, %arg12: memref<!tpu.dma_semaphore, #tpu.memory_space<semaphore_mem>>) attributes {dimension_semantics = [#tpu.dimension_semantics<core_parallel>, #tpu.dimension_semantics<subcore_parallel>], iteration_bounds = array<i64: 2, 16>, scalar_prefetch = 0 : i64, scratch_operands = 9 : i64, tpu.core_type = #tpu.core_type<sc_vector_subcore>, window_params = [{transform_indices = #map}, {transform_indices = #map1}]} {
    %mul3A = arith.constant 2 : i32
    %mul3A_0 = arith.muli %arg1, %mul3A : i32
    %add3A = arith.addi %mul3A_0, %arg0 : i32
    %mul3A_1 = arith.constant 256 : i32
    %mul3A_2 = arith.muli %add3A, %mul3A_1 : i32
    %add3A_3 = arith.constant 0 : i32
    %add3A_4 = arith.addi %mul3A_2, %add3A_3 : i32
    %dma_start3A = arith.constant 0 : i32
    %dma_start3A_5 = tpu.memref_slice %arg2[%add3A_4, %dma_start3A] : memref<8192x1024xf32, #tpu.memory_space<hbm>> -> memref<32x1024xf32, #tpu.memory_space<hbm>>
    %dma_start3A_6 = arith.constant 0 : i32
    %dma_start3A_7 = tpu.memref_slice %arg2[%add3A_4, %dma_start3A_6] : memref<8192x1024xf32, #tpu.memory_space<hbm>> -> memref<32x1024xf32, #tpu.memory_space<hbm>>
    tpu.enqueue_dma source(%dma_start3A_7 : memref<32x1024xf32, #tpu.memory_space<hbm>>) target(%arg4 : memref<32x1024xf32, #tpu.memory_space<vmem>>) target_semaphore(%arg7 : memref<!tpu.dma_semaphore, #tpu.memory_space<semaphore_mem>>)
    %dma_wait3A = arith.constant 0 : i32
    %dma_wait3A_8 = tpu.memref_slice %arg2[%add3A_4, %dma_wait3A] : memref<8192x1024xf32, #tpu.memory_space<hbm>> -> memref<32x1024xf32, #tpu.memory_space<hbm>>
    %dma_wait3A_9 = arith.constant 0 : i32
    %dma_wait3A_10 = tpu.memref_slice %arg2[%add3A_4, %dma_wait3A_9] : memref<8192x1024xf32, #tpu.memory_space<hbm>> -> memref<32x1024xf32, #tpu.memory_space<hbm>>
    tpu.wait_dma2 semaphore(%arg7 : memref<!tpu.dma_semaphore, #tpu.memory_space<semaphore_mem>>) src(%dma_wait3A_10 : memref<32x1024xf32, #tpu.memory_space<hbm>>) dst(%arg4 : memref<32x1024xf32, #tpu.memory_space<vmem>>)
    %add3A_11 = arith.constant 0 : i32
    %add3A_12 = arith.addi %mul3A_2, %add3A_11 : i32
    %dma_start3A_13 = arith.constant 0 : i32
    %dma_start3A_14 = arith.constant 0 : i32
    %dma_start3A_15 = tpu.memref_slice %arg3[%dma_start3A_13, %add3A_12, %dma_start3A_14] : memref<4x8192x1024xf32, #tpu.memory_space<hbm>> -> memref<1x32x1024xf32, #tpu.memory_space<hbm>>
    %dma_start3A_16 = tpu.memref_squeeze %dma_start3A_15 : memref<1x32x1024xf32, #tpu.memory_space<hbm>> -> memref<32x1024xf32, #tpu.memory_space<hbm>>
    %dma_start3A_17 = arith.constant 0 : i32
    %dma_start3A_18 = tpu.memref_slice %arg3[%dma_start3A_13, %add3A_12, %dma_start3A_17] : memref<4x8192x1024xf32, #tpu.memory_space<hbm>> -> memref<1x32x1024xf32, #tpu.memory_space<hbm>>
    %dma_start3A_19 = tpu.memref_squeeze %dma_start3A_18 : memref<1x32x1024xf32, #tpu.memory_space<hbm>> -> memref<32x1024xf32, #tpu.memory_space<hbm>>
    tpu.enqueue_dma source(%arg4 : memref<32x1024xf32, #tpu.memory_space<vmem>>) target(%dma_start3A_19 : memref<32x1024xf32, #tpu.memory_space<hbm>>) target_semaphore(%arg10 : memref<!tpu.dma_semaphore, #tpu.memory_space<semaphore_mem>>)
    %add3A_20 = arith.constant 0 : i32
    %add3A_21 = arith.addi %mul3A_2, %add3A_20 : i32
    %dma_start3A_22 = arith.constant 1 : i32
    %dma_start3A_23 = arith.constant 0 : i32
    %dma_start3A_24 = tpu.memref_slice %arg3[%dma_start3A_22, %add3A_21, %dma_start3A_23] : memref<4x8192x1024xf32, #tpu.memory_space<hbm>> -> memref<1x32x1024xf32, #tpu.memory_space<hbm>>
    %dma_start3A_25 = tpu.memref_squeeze %dma_start3A_24 : memref<1x32x1024xf32, #tpu.memory_space<hbm>> -> memref<32x1024xf32, #tpu.memory_space<hbm>>
    %dma_start3A_26 = arith.constant 0 : i32
    %dma_start3A_27 = tpu.memref_slice %arg3[%dma_start3A_22, %add3A_21, %dma_start3A_26] : memref<4x8192x1024xf32, #tpu.memory_space<hbm>> -> memref<1x32x1024xf32, #tpu.memory_space<hbm>>
    %dma_start3A_28 = tpu.memref_squeeze %dma_start3A_27 : memref<1x32x1024xf32, #tpu.memory_space<hbm>> -> memref<32x1024xf32, #tpu.memory_space<hbm>>
    tpu.enqueue_dma source(%arg4 : memref<32x1024xf32, #tpu.memory_space<vmem>>) target(%dma_start3A_28 : memref<32x1024xf32, #tpu.memory_space<hbm>>) target_semaphore(%arg10 : memref<!tpu.dma_semaphore, #tpu.memory_space<semaphore_mem>>)
    %add3A_29 = arith.constant 0 : i32
    %add3A_30 = arith.addi %mul3A_2, %add3A_29 : i32
    %dma_start3A_31 = arith.constant 2 : i32
    %dma_start3A_32 = arith.constant 0 : i32
    %dma_start3A_33 = tpu.memref_slice %arg3[%dma_start3A_31, %add3A_30, %dma_start3A_32] : memref<4x8192x1024xf32, #tpu.memory_space<hbm>> -> memref<1x32x1024xf32, #tpu.memory_space<hbm>>
    %dma_start3A_34 = tpu.memref_squeeze %dma_start3A_33 : memref<1x32x1024xf32, #tpu.memory_space<hbm>> -> memref<32x1024xf32, #tpu.memory_space<hbm>>
    %dma_start3A_35 = arith.constant 0 : i32
    %dma_start3A_36 = tpu.memref_slice %arg3[%dma_start3A_31, %add3A_30, %dma_start3A_35] : memref<4x8192x1024xf32, #tpu.memory_space<hbm>> -> memref<1x32x1024xf32, #tpu.memory_space<hbm>>
    %dma_start3A_37 = tpu.memref_squeeze %dma_start3A_36 : memref<1x32x1024xf32, #tpu.memory_space<hbm>> -> memref<32x1024xf32, #tpu.memory_space<hbm>>
    tpu.enqueue_dma source(%arg4 : memref<32x1024xf32, #tpu.memory_space<vmem>>) target(%dma_start3A_37 : memref<32x1024xf32, #tpu.memory_space<hbm>>) target_semaphore(%arg10 : memref<!tpu.dma_semaphore, #tpu.memory_space<semaphore_mem>>)
    %add3A_38 = arith.constant 0 : i32
    %add3A_39 = arith.addi %mul3A_2, %add3A_38 : i32
    %dma_start3A_40 = arith.constant 3 : i32
    %dma_start3A_41 = arith.constant 0 : i32
    %dma_start3A_42 = tpu.memref_slice %arg3[%dma_start3A_40, %add3A_39, %dma_start3A_41] : memref<4x8192x1024xf32, #tpu.memory_space<hbm>> -> memref<1x32x1024xf32, #tpu.memory_space<hbm>>
    %dma_start3A_43 = tpu.memref_squeeze %dma_start3A_42 : memref<1x32x1024xf32, #tpu.memory_space<hbm>> -> memref<32x1024xf32, #tpu.memory_space<hbm>>
    %dma_start3A_44 = arith.constant 0 : i32
    %dma_start3A_45 = tpu.memref_slice %arg3[%dma_start3A_40, %add3A_39, %dma_start3A_44] : memref<4x8192x1024xf32, #tpu.memory_space<hbm>> -> memref<1x32x1024xf32, #tpu.memory_space<hbm>>
    %dma_start3A_46 = tpu.memref_squeeze %dma_start3A_45 : memref<1x32x1024xf32, #tpu.memory_space<hbm>> -> memref<32x1024xf32, #tpu.memory_space<hbm>>
    tpu.enqueue_dma source(%arg4 : memref<32x1024xf32, #tpu.memory_space<vmem>>) target(%dma_start3A_46 : memref<32x1024xf32, #tpu.memory_space<hbm>>) target_semaphore(%arg10 : memref<!tpu.dma_semaphore, #tpu.memory_space<semaphore_mem>>)
    %add3A_47 = arith.constant 32 : i32
    %add3A_48 = arith.addi %mul3A_2, %add3A_47 : i32
    %dma_start3A_49 = arith.constant 0 : i32
    %dma_start3A_50 = tpu.memref_slice %arg2[%add3A_48, %dma_start3A_49] : memref<8192x1024xf32, #tpu.memory_space<hbm>> -> memref<32x1024xf32, #tpu.memory_space<hbm>>
    %dma_start3A_51 = arith.constant 0 : i32
    %dma_start3A_52 = tpu.memref_slice %arg2[%add3A_48, %dma_start3A_51] : memref<8192x1024xf32, #tpu.memory_space<hbm>> -> memref<32x1024xf32, #tpu.memory_space<hbm>>
    tpu.enqueue_dma source(%dma_start3A_52 : memref<32x1024xf32, #tpu.memory_space<hbm>>) target(%arg5 : memref<32x1024xf32, #tpu.memory_space<vmem>>) target_semaphore(%arg8 : memref<!tpu.dma_semaphore, #tpu.memory_space<semaphore_mem>>)
    %dma_wait3A_53 = arith.constant 0 : i32
    %dma_wait3A_54 = tpu.memref_slice %arg2[%add3A_48, %dma_wait3A_53] : memref<8192x1024xf32, #tpu.memory_space<hbm>> -> memref<32x1024xf32, #tpu.memory_space<hbm>>
    %dma_wait3A_55 = arith.constant 0 : i32
    %dma_wait3A_56 = tpu.memref_slice %arg2[%add3A_48, %dma_wait3A_55] : memref<8192x1024xf32, #tpu.memory_space<hbm>> -> memref<32x1024xf32, #tpu.memory_space<hbm>>
    tpu.wait_dma2 semaphore(%arg8 : memref<!tpu.dma_semaphore, #tpu.memory_space<semaphore_mem>>) src(%dma_wait3A_56 : memref<32x1024xf32, #tpu.memory_space<hbm>>) dst(%arg5 : memref<32x1024xf32, #tpu.memory_space<vmem>>)
    %add3A_57 = arith.constant 32 : i32
    %add3A_58 = arith.addi %mul3A_2, %add3A_57 : i32
    %dma_start3A_59 = arith.constant 0 : i32
    %dma_start3A_60 = arith.constant 0 : i32
    %dma_start3A_61 = tpu.memref_slice %arg3[%dma_start3A_59, %add3A_58, %dma_start3A_60] : memref<4x8192x1024xf32, #tpu.memory_space<hbm>> -> memref<1x32x1024xf32, #tpu.memory_space<hbm>>
    %dma_start3A_62 = tpu.memref_squeeze %dma_start3A_61 : memref<1x32x1024xf32, #tpu.memory_space<hbm>> -> memref<32x1024xf32, #tpu.memory_space<hbm>>
    %dma_start3A_63 = arith.constant 0 : i32
    %dma_start3A_64 = tpu.memref_slice %arg3[%dma_start3A_59, %add3A_58, %dma_start3A_63] : memref<4x8192x1024xf32, #tpu.memory_space<hbm>> -> memref<1x32x1024xf32, #tpu.memory_space<hbm>>
    %dma_start3A_65 = tpu.memref_squeeze %dma_start3A_64 : memref<1x32x1024xf32, #tpu.memory_space<hbm>> -> memref<32x1024xf32, #tpu.memory_space<hbm>>
    tpu.enqueue_dma source(%arg5 : memref<32x1024xf32, #tpu.memory_space<vmem>>) target(%dma_start3A_65 : memref<32x1024xf32, #tpu.memory_space<hbm>>) target_semaphore(%arg11 : memref<!tpu.dma_semaphore, #tpu.memory_space<semaphore_mem>>)
    %add3A_66 = arith.constant 32 : i32
    %add3A_67 = arith.addi %mul3A_2, %add3A_66 : i32
    %dma_start3A_68 = arith.constant 1 : i32
    %dma_start3A_69 = arith.constant 0 : i32
    %dma_start3A_70 = tpu.memref_slice %arg3[%dma_start3A_68, %add3A_67, %dma_start3A_69] : memref<4x8192x1024xf32, #tpu.memory_space<hbm>> -> memref<1x32x1024xf32, #tpu.memory_space<hbm>>
    %dma_start3A_71 = tpu.memref_squeeze %dma_start3A_70 : memref<1x32x1024xf32, #tpu.memory_space<hbm>> -> memref<32x1024xf32, #tpu.memory_space<hbm>>
    %dma_start3A_72 = arith.constant 0 : i32
    %dma_start3A_73 = tpu.memref_slice %arg3[%dma_start3A_68, %add3A_67, %dma_start3A_72] : memref<4x8192x1024xf32, #tpu.memory_space<hbm>> -> memref<1x32x1024xf32, #tpu.memory_space<hbm>>
    %dma_start3A_74 = tpu.memref_squeeze %dma_start3A_73 : memref<1x32x1024xf32, #tpu.memory_space<hbm>> -> memref<32x1024xf32, #tpu.memory_space<hbm>>
    tpu.enqueue_dma source(%arg5 : memref<32x1024xf32, #tpu.memory_space<vmem>>) target(%dma_start3A_74 : memref<32x1024xf32, #tpu.memory_space<hbm>>) target_semaphore(%arg11 : memref<!tpu.dma_semaphore, #tpu.memory_space<semaphore_mem>>)
    %add3A_75 = arith.constant 32 : i32
    %add3A_76 = arith.addi %mul3A_2, %add3A_75 : i32
    %dma_start3A_77 = arith.constant 2 : i32
    %dma_start3A_78 = arith.constant 0 : i32
    %dma_start3A_79 = tpu.memref_slice %arg3[%dma_start3A_77, %add3A_76, %dma_start3A_78] : memref<4x8192x1024xf32, #tpu.memory_space<hbm>> -> memref<1x32x1024xf32, #tpu.memory_space<hbm>>
    %dma_start3A_80 = tpu.memref_squeeze %dma_start3A_79 : memref<1x32x1024xf32, #tpu.memory_space<hbm>> -> memref<32x1024xf32, #tpu.memory_space<hbm>>
    %dma_start3A_81 = arith.constant 0 : i32
    %dma_start3A_82 = tpu.memref_slice %arg3[%dma_start3A_77, %add3A_76, %dma_start3A_81] : memref<4x8192x1024xf32, #tpu.memory_space<hbm>> -> memref<1x32x1024xf32, #tpu.memory_space<hbm>>
    %dma_start3A_83 = tpu.memref_squeeze %dma_start3A_82 : memref<1x32x1024xf32, #tpu.memory_space<hbm>> -> memref<32x1024xf32, #tpu.memory_space<hbm>>
    tpu.enqueue_dma source(%arg5 : memref<32x1024xf32, #tpu.memory_space<vmem>>) target(%dma_start3A_83 : memref<32x1024xf32, #tpu.memory_space<hbm>>) target_semaphore(%arg11 : memref<!tpu.dma_semaphore, #tpu.memory_space<semaphore_mem>>)
    %add3A_84 = arith.constant 32 : i32
    %add3A_85 = arith.addi %mul3A_2, %add3A_84 : i32
    %dma_start3A_86 = arith.constant 3 : i32
    %dma_start3A_87 = arith.constant 0 : i32
    %dma_start3A_88 = tpu.memref_slice %arg3[%dma_start3A_86, %add3A_85, %dma_start3A_87] : memref<4x8192x1024xf32, #tpu.memory_space<hbm>> -> memref<1x32x1024xf32, #tpu.memory_space<hbm>>
    %dma_start3A_89 = tpu.memref_squeeze %dma_start3A_88 : memref<1x32x1024xf32, #tpu.memory_space<hbm>> -> memref<32x1024xf32, #tpu.memory_space<hbm>>
    %dma_start3A_90 = arith.constant 0 : i32
    %dma_start3A_91 = tpu.memref_slice %arg3[%dma_start3A_86, %add3A_85, %dma_start3A_90] : memref<4x8192x1024xf32, #tpu.memory_space<hbm>> -> memref<1x32x1024xf32, #tpu.memory_space<hbm>>
    %dma_start3A_92 = tpu.memref_squeeze %dma_start3A_91 : memref<1x32x1024xf32, #tpu.memory_space<hbm>> -> memref<32x1024xf32, #tpu.memory_space<hbm>>
    tpu.enqueue_dma source(%arg5 : memref<32x1024xf32, #tpu.memory_space<vmem>>) target(%dma_start3A_92 : memref<32x1024xf32, #tpu.memory_space<hbm>>) target_semaphore(%arg11 : memref<!tpu.dma_semaphore, #tpu.memory_space<semaphore_mem>>)
    %add3A_93 = arith.constant 64 : i32
    %add3A_94 = arith.addi %mul3A_2, %add3A_93 : i32
    %dma_start3A_95 = arith.constant 0 : i32
    %dma_start3A_96 = tpu.memref_slice %arg2[%add3A_94, %dma_start3A_95] : memref<8192x1024xf32, #tpu.memory_space<hbm>> -> memref<32x1024xf32, #tpu.memory_space<hbm>>
    %dma_start3A_97 = arith.constant 0 : i32
    %dma_start3A_98 = tpu.memref_slice %arg2[%add3A_94, %dma_start3A_97] : memref<8192x1024xf32, #tpu.memory_space<hbm>> -> memref<32x1024xf32, #tpu.memory_space<hbm>>
    tpu.enqueue_dma source(%dma_start3A_98 : memref<32x1024xf32, #tpu.memory_space<hbm>>) target(%arg6 : memref<32x1024xf32, #tpu.memory_space<vmem>>) target_semaphore(%arg9 : memref<!tpu.dma_semaphore, #tpu.memory_space<semaphore_mem>>)
    %dma_wait3A_99 = arith.constant 0 : i32
    %dma_wait3A_100 = tpu.memref_slice %arg2[%add3A_94, %dma_wait3A_99] : memref<8192x1024xf32, #tpu.memory_space<hbm>> -> memref<32x1024xf32, #tpu.memory_space<hbm>>
    %dma_wait3A_101 = arith.constant 0 : i32
    %dma_wait3A_102 = tpu.memref_slice %arg2[%add3A_94, %dma_wait3A_101] : memref<8192x1024xf32, #tpu.memory_space<hbm>> -> memref<32x1024xf32, #tpu.memory_space<hbm>>
    tpu.wait_dma2 semaphore(%arg9 : memref<!tpu.dma_semaphore, #tpu.memory_space<semaphore_mem>>) src(%dma_wait3A_102 : memref<32x1024xf32, #tpu.memory_space<hbm>>) dst(%arg6 : memref<32x1024xf32, #tpu.memory_space<vmem>>)
    %add3A_103 = arith.constant 64 : i32
    %add3A_104 = arith.addi %mul3A_2, %add3A_103 : i32
    %dma_start3A_105 = arith.constant 0 : i32
    %dma_start3A_106 = arith.constant 0 : i32
    %dma_start3A_107 = tpu.memref_slice %arg3[%dma_start3A_105, %add3A_104, %dma_start3A_106] : memref<4x8192x1024xf32, #tpu.memory_space<hbm>> -> memref<1x32x1024xf32, #tpu.memory_space<hbm>>
    %dma_start3A_108 = tpu.memref_squeeze %dma_start3A_107 : memref<1x32x1024xf32, #tpu.memory_space<hbm>> -> memref<32x1024xf32, #tpu.memory_space<hbm>>
    %dma_start3A_109 = arith.constant 0 : i32
    %dma_start3A_110 = tpu.memref_slice %arg3[%dma_start3A_105, %add3A_104, %dma_start3A_109] : memref<4x8192x1024xf32, #tpu.memory_space<hbm>> -> memref<1x32x1024xf32, #tpu.memory_space<hbm>>
    %dma_start3A_111 = tpu.memref_squeeze %dma_start3A_110 : memref<1x32x1024xf32, #tpu.memory_space<hbm>> -> memref<32x1024xf32, #tpu.memory_space<hbm>>
    tpu.enqueue_dma source(%arg6 : memref<32x1024xf32, #tpu.memory_space<vmem>>) target(%dma_start3A_111 : memref<32x1024xf32, #tpu.memory_space<hbm>>) target_semaphore(%arg12 : memref<!tpu.dma_semaphore, #tpu.memory_space<semaphore_mem>>)
    %add3A_112 = arith.constant 64 : i32
    %add3A_113 = arith.addi %mul3A_2, %add3A_112 : i32
    %dma_start3A_114 = arith.constant 1 : i32
    %dma_start3A_115 = arith.constant 0 : i32
    %dma_start3A_116 = tpu.memref_slice %arg3[%dma_start3A_114, %add3A_113, %dma_start3A_115] : memref<4x8192x1024xf32, #tpu.memory_space<hbm>> -> memref<1x32x1024xf32, #tpu.memory_space<hbm>>
    %dma_start3A_117 = tpu.memref_squeeze %dma_start3A_116 : memref<1x32x1024xf32, #tpu.memory_space<hbm>> -> memref<32x1024xf32, #tpu.memory_space<hbm>>
    %dma_start3A_118 = arith.constant 0 : i32
    %dma_start3A_119 = tpu.memref_slice %arg3[%dma_start3A_114, %add3A_113, %dma_start3A_118] : memref<4x8192x1024xf32, #tpu.memory_space<hbm>> -> memref<1x32x1024xf32, #tpu.memory_space<hbm>>
    %dma_start3A_120 = tpu.memref_squeeze %dma_start3A_119 : memref<1x32x1024xf32, #tpu.memory_space<hbm>> -> memref<32x1024xf32, #tpu.memory_space<hbm>>
    tpu.enqueue_dma source(%arg6 : memref<32x1024xf32, #tpu.memory_space<vmem>>) target(%dma_start3A_120 : memref<32x1024xf32, #tpu.memory_space<hbm>>) target_semaphore(%arg12 : memref<!tpu.dma_semaphore, #tpu.memory_space<semaphore_mem>>)
    %add3A_121 = arith.constant 64 : i32
    %add3A_122 = arith.addi %mul3A_2, %add3A_121 : i32
    %dma_start3A_123 = arith.constant 2 : i32
    %dma_start3A_124 = arith.constant 0 : i32
    %dma_start3A_125 = tpu.memref_slice %arg3[%dma_start3A_123, %add3A_122, %dma_start3A_124] : memref<4x8192x1024xf32, #tpu.memory_space<hbm>> -> memref<1x32x1024xf32, #tpu.memory_space<hbm>>
    %dma_start3A_126 = tpu.memref_squeeze %dma_start3A_125 : memref<1x32x1024xf32, #tpu.memory_space<hbm>> -> memref<32x1024xf32, #tpu.memory_space<hbm>>
    %dma_start3A_127 = arith.constant 0 : i32
    %dma_start3A_128 = tpu.memref_slice %arg3[%dma_start3A_123, %add3A_122, %dma_start3A_127] : memref<4x8192x1024xf32, #tpu.memory_space<hbm>> -> memref<1x32x1024xf32, #tpu.memory_space<hbm>>
    %dma_start3A_129 = tpu.memref_squeeze %dma_start3A_128 : memref<1x32x1024xf32, #tpu.memory_space<hbm>> -> memref<32x1024xf32, #tpu.memory_space<hbm>>
    tpu.enqueue_dma source(%arg6 : memref<32x1024xf32, #tpu.memory_space<vmem>>) target(%dma_start3A_129 : memref<32x1024xf32, #tpu.memory_space<hbm>>) target_semaphore(%arg12 : memref<!tpu.dma_semaphore, #tpu.memory_space<semaphore_mem>>)
    %add3A_130 = arith.constant 64 : i32
    %add3A_131 = arith.addi %mul3A_2, %add3A_130 : i32
    %dma_start3A_132 = arith.constant 3 : i32
    %dma_start3A_133 = arith.constant 0 : i32
    %dma_start3A_134 = tpu.memref_slice %arg3[%dma_start3A_132, %add3A_131, %dma_start3A_133] : memref<4x8192x1024xf32, #tpu.memory_space<hbm>> -> memref<1x32x1024xf32, #tpu.memory_space<hbm>>
    %dma_start3A_135 = tpu.memref_squeeze %dma_start3A_134 : memref<1x32x1024xf32, #tpu.memory_space<hbm>> -> memref<32x1024xf32, #tpu.memory_space<hbm>>
    %dma_start3A_136 = arith.constant 0 : i32
    %dma_start3A_137 = tpu.memref_slice %arg3[%dma_start3A_132, %add3A_131, %dma_start3A_136] : memref<4x8192x1024xf32, #tpu.memory_space<hbm>> -> memref<1x32x1024xf32, #tpu.memory_space<hbm>>
    %dma_start3A_138 = tpu.memref_squeeze %dma_start3A_137 : memref<1x32x1024xf32, #tpu.memory_space<hbm>> -> memref<32x1024xf32, #tpu.memory_space<hbm>>
    tpu.enqueue_dma source(%arg6 : memref<32x1024xf32, #tpu.memory_space<vmem>>) target(%dma_start3A_138 : memref<32x1024xf32, #tpu.memory_space<hbm>>) target_semaphore(%arg12 : memref<!tpu.dma_semaphore, #tpu.memory_space<semaphore_mem>>)
    %dma_wait3A_139 = arith.constant 0 : i32
    %dma_wait3A_140 = arith.constant 0 : i32
    %dma_wait3A_141 = tpu.memref_slice %arg3[%dma_wait3A_139, %add3A_12, %dma_wait3A_140] : memref<4x8192x1024xf32, #tpu.memory_space<hbm>> -> memref<1x32x1024xf32, #tpu.memory_space<hbm>>
    %dma_wait3A_142 = tpu.memref_squeeze %dma_wait3A_141 : memref<1x32x1024xf32, #tpu.memory_space<hbm>> -> memref<32x1024xf32, #tpu.memory_space<hbm>>
    %dma_wait3A_143 = arith.constant 0 : i32
    %dma_wait3A_144 = tpu.memref_slice %arg3[%dma_wait3A_139, %add3A_12, %dma_wait3A_143] : memref<4x8192x1024xf32, #tpu.memory_space<hbm>> -> memref<1x32x1024xf32, #tpu.memory_space<hbm>>
    %dma_wait3A_145 = tpu.memref_squeeze %dma_wait3A_144 : memref<1x32x1024xf32, #tpu.memory_space<hbm>> -> memref<32x1024xf32, #tpu.memory_space<hbm>>
    tpu.wait_dma2 semaphore(%arg10 : memref<!tpu.dma_semaphore, #tpu.memory_space<semaphore_mem>>) src(%arg4 : memref<32x1024xf32, #tpu.memory_space<vmem>>) dst(%dma_wait3A_145 : memref<32x1024xf32, #tpu.memory_space<hbm>>)
    %dma_wait3A_146 = arith.constant 1 : i32
    %dma_wait3A_147 = arith.constant 0 : i32
    %dma_wait3A_148 = tpu.memref_slice %arg3[%dma_wait3A_146, %add3A_21, %dma_wait3A_147] : memref<4x8192x1024xf32, #tpu.memory_space<hbm>> -> memref<1x32x1024xf32, #tpu.memory_space<hbm>>
    %dma_wait3A_149 = tpu.memref_squeeze %dma_wait3A_148 : memref<1x32x1024xf32, #tpu.memory_space<hbm>> -> memref<32x1024xf32, #tpu.memory_space<hbm>>
    %dma_wait3A_150 = arith.constant 0 : i32
    %dma_wait3A_151 = tpu.memref_slice %arg3[%dma_wait3A_146, %add3A_21, %dma_wait3A_150] : memref<4x8192x1024xf32, #tpu.memory_space<hbm>> -> memref<1x32x1024xf32, #tpu.memory_space<hbm>>
    %dma_wait3A_152 = tpu.memref_squeeze %dma_wait3A_151 : memref<1x32x1024xf32, #tpu.memory_space<hbm>> -> memref<32x1024xf32, #tpu.memory_space<hbm>>
    tpu.wait_dma2 semaphore(%arg10 : memref<!tpu.dma_semaphore, #tpu.memory_space<semaphore_mem>>) src(%arg4 : memref<32x1024xf32, #tpu.memory_space<vmem>>) dst(%dma_wait3A_152 : memref<32x1024xf32, #tpu.memory_space<hbm>>)
    %dma_wait3A_153 = arith.constant 2 : i32
    %dma_wait3A_154 = arith.constant 0 : i32
    %dma_wait3A_155 = tpu.memref_slice %arg3[%dma_wait3A_153, %add3A_30, %dma_wait3A_154] : memref<4x8192x1024xf32, #tpu.memory_space<hbm>> -> memref<1x32x1024xf32, #tpu.memory_space<hbm>>
    %dma_wait3A_156 = tpu.memref_squeeze %dma_wait3A_155 : memref<1x32x1024xf32, #tpu.memory_space<hbm>> -> memref<32x1024xf32, #tpu.memory_space<hbm>>
    %dma_wait3A_157 = arith.constant 0 : i32
    %dma_wait3A_158 = tpu.memref_slice %arg3[%dma_wait3A_153, %add3A_30, %dma_wait3A_157] : memref<4x8192x1024xf32, #tpu.memory_space<hbm>> -> memref<1x32x1024xf32, #tpu.memory_space<hbm>>
    %dma_wait3A_159 = tpu.memref_squeeze %dma_wait3A_158 : memref<1x32x1024xf32, #tpu.memory_space<hbm>> -> memref<32x1024xf32, #tpu.memory_space<hbm>>
    tpu.wait_dma2 semaphore(%arg10 : memref<!tpu.dma_semaphore, #tpu.memory_space<semaphore_mem>>) src(%arg4 : memref<32x1024xf32, #tpu.memory_space<vmem>>) dst(%dma_wait3A_159 : memref<32x1024xf32, #tpu.memory_space<hbm>>)
    %dma_wait3A_160 = arith.constant 3 : i32
    %dma_wait3A_161 = arith.constant 0 : i32
    %dma_wait3A_162 = tpu.memref_slice %arg3[%dma_wait3A_160, %add3A_39, %dma_wait3A_161] : memref<4x8192x1024xf32, #tpu.memory_space<hbm>> -> memref<1x32x1024xf32, #tpu.memory_space<hbm>>
    %dma_wait3A_163 = tpu.memref_squeeze %dma_wait3A_162 : memref<1x32x1024xf32, #tpu.memory_space<hbm>> -> memref<32x1024xf32, #tpu.memory_space<hbm>>
    %dma_wait3A_164 = arith.constant 0 : i32
    %dma_wait3A_165 = tpu.memref_slice %arg3[%dma_wait3A_160, %add3A_39, %dma_wait3A_164] : memref<4x8192x1024xf32, #tpu.memory_space<hbm>> -> memref<1x32x1024xf32, #tpu.memory_space<hbm>>
    %dma_wait3A_166 = tpu.memref_squeeze %dma_wait3A_165 : memref<1x32x1024xf32, #tpu.memory_space<hbm>> -> memref<32x1024xf32, #tpu.memory_space<hbm>>
    tpu.wait_dma2 semaphore(%arg10 : memref<!tpu.dma_semaphore, #tpu.memory_space<semaphore_mem>>) src(%arg4 : memref<32x1024xf32, #tpu.memory_space<vmem>>) dst(%dma_wait3A_166 : memref<32x1024xf32, #tpu.memory_space<hbm>>)
    %add3A_167 = arith.constant 96 : i32
    %add3A_168 = arith.addi %mul3A_2, %add3A_167 : i32
    %dma_start3A_169 = arith.constant 0 : i32
    %dma_start3A_170 = tpu.memref_slice %arg2[%add3A_168, %dma_start3A_169] : memref<8192x1024xf32, #tpu.memory_space<hbm>> -> memref<32x1024xf32, #tpu.memory_space<hbm>>
    %dma_start3A_171 = arith.constant 0 : i32
    %dma_start3A_172 = tpu.memref_slice %arg2[%add3A_168, %dma_start3A_171] : memref<8192x1024xf32, #tpu.memory_space<hbm>> -> memref<32x1024xf32, #tpu.memory_space<hbm>>
    tpu.enqueue_dma source(%dma_start3A_172 : memref<32x1024xf32, #tpu.memory_space<hbm>>) target(%arg4 : memref<32x1024xf32, #tpu.memory_space<vmem>>) target_semaphore(%arg7 : memref<!tpu.dma_semaphore, #tpu.memory_space<semaphore_mem>>)
    %dma_wait3A_173 = arith.constant 0 : i32
    %dma_wait3A_174 = tpu.memref_slice %arg2[%add3A_168, %dma_wait3A_173] : memref<8192x1024xf32, #tpu.memory_space<hbm>> -> memref<32x1024xf32, #tpu.memory_space<hbm>>
    %dma_wait3A_175 = arith.constant 0 : i32
    %dma_wait3A_176 = tpu.memref_slice %arg2[%add3A_168, %dma_wait3A_175] : memref<8192x1024xf32, #tpu.memory_space<hbm>> -> memref<32x1024xf32, #tpu.memory_space<hbm>>
    tpu.wait_dma2 semaphore(%arg7 : memref<!tpu.dma_semaphore, #tpu.memory_space<semaphore_mem>>) src(%dma_wait3A_176 : memref<32x1024xf32, #tpu.memory_space<hbm>>) dst(%arg4 : memref<32x1024xf32, #tpu.memory_space<vmem>>)
    %add3A_177 = arith.constant 96 : i32
    %add3A_178 = arith.addi %mul3A_2, %add3A_177 : i32
    %dma_start3A_179 = arith.constant 0 : i32
    %dma_start3A_180 = arith.constant 0 : i32
    %dma_start3A_181 = tpu.memref_slice %arg3[%dma_start3A_179, %add3A_178, %dma_start3A_180] : memref<4x8192x1024xf32, #tpu.memory_space<hbm>> -> memref<1x32x1024xf32, #tpu.memory_space<hbm>>
    %dma_start3A_182 = tpu.memref_squeeze %dma_start3A_181 : memref<1x32x1024xf32, #tpu.memory_space<hbm>> -> memref<32x1024xf32, #tpu.memory_space<hbm>>
    %dma_start3A_183 = arith.constant 0 : i32
    %dma_start3A_184 = tpu.memref_slice %arg3[%dma_start3A_179, %add3A_178, %dma_start3A_183] : memref<4x8192x1024xf32, #tpu.memory_space<hbm>> -> memref<1x32x1024xf32, #tpu.memory_space<hbm>>
    %dma_start3A_185 = tpu.memref_squeeze %dma_start3A_184 : memref<1x32x1024xf32, #tpu.memory_space<hbm>> -> memref<32x1024xf32, #tpu.memory_space<hbm>>
    tpu.enqueue_dma source(%arg4 : memref<32x1024xf32, #tpu.memory_space<vmem>>) target(%dma_start3A_185 : memref<32x1024xf32, #tpu.memory_space<hbm>>) target_semaphore(%arg10 : memref<!tpu.dma_semaphore, #tpu.memory_space<semaphore_mem>>)
    %add3A_186 = arith.constant 96 : i32
    %add3A_187 = arith.addi %mul3A_2, %add3A_186 : i32
    %dma_start3A_188 = arith.constant 1 : i32
    %dma_start3A_189 = arith.constant 0 : i32
    %dma_start3A_190 = tpu.memref_slice %arg3[%dma_start3A_188, %add3A_187, %dma_start3A_189] : memref<4x8192x1024xf32, #tpu.memory_space<hbm>> -> memref<1x32x1024xf32, #tpu.memory_space<hbm>>
    %dma_start3A_191 = tpu.memref_squeeze %dma_start3A_190 : memref<1x32x1024xf32, #tpu.memory_space<hbm>> -> memref<32x1024xf32, #tpu.memory_space<hbm>>
    %dma_start3A_192 = arith.constant 0 : i32
    %dma_start3A_193 = tpu.memref_slice %arg3[%dma_start3A_188, %add3A_187, %dma_start3A_192] : memref<4x8192x1024xf32, #tpu.memory_space<hbm>> -> memref<1x32x1024xf32, #tpu.memory_space<hbm>>
    %dma_start3A_194 = tpu.memref_squeeze %dma_start3A_193 : memref<1x32x1024xf32, #tpu.memory_space<hbm>> -> memref<32x1024xf32, #tpu.memory_space<hbm>>
    tpu.enqueue_dma source(%arg4 : memref<32x1024xf32, #tpu.memory_space<vmem>>) target(%dma_start3A_194 : memref<32x1024xf32, #tpu.memory_space<hbm>>) target_semaphore(%arg10 : memref<!tpu.dma_semaphore, #tpu.memory_space<semaphore_mem>>)
    %add3A_195 = arith.constant 96 : i32
    %add3A_196 = arith.addi %mul3A_2, %add3A_195 : i32
    %dma_start3A_197 = arith.constant 2 : i32
    %dma_start3A_198 = arith.constant 0 : i32
    %dma_start3A_199 = tpu.memref_slice %arg3[%dma_start3A_197, %add3A_196, %dma_start3A_198] : memref<4x8192x1024xf32, #tpu.memory_space<hbm>> -> memref<1x32x1024xf32, #tpu.memory_space<hbm>>
    %dma_start3A_200 = tpu.memref_squeeze %dma_start3A_199 : memref<1x32x1024xf32, #tpu.memory_space<hbm>> -> memref<32x1024xf32, #tpu.memory_space<hbm>>
    %dma_start3A_201 = arith.constant 0 : i32
    %dma_start3A_202 = tpu.memref_slice %arg3[%dma_start3A_197, %add3A_196, %dma_start3A_201] : memref<4x8192x1024xf32, #tpu.memory_space<hbm>> -> memref<1x32x1024xf32, #tpu.memory_space<hbm>>
    %dma_start3A_203 = tpu.memref_squeeze %dma_start3A_202 : memref<1x32x1024xf32, #tpu.memory_space<hbm>> -> memref<32x1024xf32, #tpu.memory_space<hbm>>
    tpu.enqueue_dma source(%arg4 : memref<32x1024xf32, #tpu.memory_space<vmem>>) target(%dma_start3A_203 : memref<32x1024xf32, #tpu.memory_space<hbm>>) target_semaphore(%arg10 : memref<!tpu.dma_semaphore, #tpu.memory_space<semaphore_mem>>)
    %add3A_204 = arith.constant 96 : i32
    %add3A_205 = arith.addi %mul3A_2, %add3A_204 : i32
    %dma_start3A_206 = arith.constant 3 : i32
    %dma_start3A_207 = arith.constant 0 : i32
    %dma_start3A_208 = tpu.memref_slice %arg3[%dma_start3A_206, %add3A_205, %dma_start3A_207] : memref<4x8192x1024xf32, #tpu.memory_space<hbm>> -> memref<1x32x1024xf32, #tpu.memory_space<hbm>>
    %dma_start3A_209 = tpu.memref_squeeze %dma_start3A_208 : memref<1x32x1024xf32, #tpu.memory_space<hbm>> -> memref<32x1024xf32, #tpu.memory_space<hbm>>
    %dma_start3A_210 = arith.constant 0 : i32
    %dma_start3A_211 = tpu.memref_slice %arg3[%dma_start3A_206, %add3A_205, %dma_start3A_210] : memref<4x8192x1024xf32, #tpu.memory_space<hbm>> -> memref<1x32x1024xf32, #tpu.memory_space<hbm>>
    %dma_start3A_212 = tpu.memref_squeeze %dma_start3A_211 : memref<1x32x1024xf32, #tpu.memory_space<hbm>> -> memref<32x1024xf32, #tpu.memory_space<hbm>>
    tpu.enqueue_dma source(%arg4 : memref<32x1024xf32, #tpu.memory_space<vmem>>) target(%dma_start3A_212 : memref<32x1024xf32, #tpu.memory_space<hbm>>) target_semaphore(%arg10 : memref<!tpu.dma_semaphore, #tpu.memory_space<semaphore_mem>>)
    %dma_wait3A_213 = arith.constant 0 : i32
    %dma_wait3A_214 = arith.constant 0 : i32
    %dma_wait3A_215 = tpu.memref_slice %arg3[%dma_wait3A_213, %add3A_58, %dma_wait3A_214] : memref<4x8192x1024xf32, #tpu.memory_space<hbm>> -> memref<1x32x1024xf32, #tpu.memory_space<hbm>>
    %dma_wait3A_216 = tpu.memref_squeeze %dma_wait3A_215 : memref<1x32x1024xf32, #tpu.memory_space<hbm>> -> memref<32x1024xf32, #tpu.memory_space<hbm>>
    %dma_wait3A_217 = arith.constant 0 : i32
    %dma_wait3A_218 = tpu.memref_slice %arg3[%dma_wait3A_213, %add3A_58, %dma_wait3A_217] : memref<4x8192x1024xf32, #tpu.memory_space<hbm>> -> memref<1x32x1024xf32, #tpu.memory_space<hbm>>
    %dma_wait3A_219 = tpu.memref_squeeze %dma_wait3A_218 : memref<1x32x1024xf32, #tpu.memory_space<hbm>> -> memref<32x1024xf32, #tpu.memory_space<hbm>>
    tpu.wait_dma2 semaphore(%arg11 : memref<!tpu.dma_semaphore, #tpu.memory_space<semaphore_mem>>) src(%arg5 : memref<32x1024xf32, #tpu.memory_space<vmem>>) dst(%dma_wait3A_219 : memref<32x1024xf32, #tpu.memory_space<hbm>>)
    %dma_wait3A_220 = arith.constant 1 : i32
    %dma_wait3A_221 = arith.constant 0 : i32
    %dma_wait3A_222 = tpu.memref_slice %arg3[%dma_wait3A_220, %add3A_67, %dma_wait3A_221] : memref<4x8192x1024xf32, #tpu.memory_space<hbm>> -> memref<1x32x1024xf32, #tpu.memory_space<hbm>>
    %dma_wait3A_223 = tpu.memref_squeeze %dma_wait3A_222 : memref<1x32x1024xf32, #tpu.memory_space<hbm>> -> memref<32x1024xf32, #tpu.memory_space<hbm>>
    %dma_wait3A_224 = arith.constant 0 : i32
    %dma_wait3A_225 = tpu.memref_slice %arg3[%dma_wait3A_220, %add3A_67, %dma_wait3A_224] : memref<4x8192x1024xf32, #tpu.memory_space<hbm>> -> memref<1x32x1024xf32, #tpu.memory_space<hbm>>
    %dma_wait3A_226 = tpu.memref_squeeze %dma_wait3A_225 : memref<1x32x1024xf32, #tpu.memory_space<hbm>> -> memref<32x1024xf32, #tpu.memory_space<hbm>>
    tpu.wait_dma2 semaphore(%arg11 : memref<!tpu.dma_semaphore, #tpu.memory_space<semaphore_mem>>) src(%arg5 : memref<32x1024xf32, #tpu.memory_space<vmem>>) dst(%dma_wait3A_226 : memref<32x1024xf32, #tpu.memory_space<hbm>>)
    %dma_wait3A_227 = arith.constant 2 : i32
    %dma_wait3A_228 = arith.constant 0 : i32
    %dma_wait3A_229 = tpu.memref_slice %arg3[%dma_wait3A_227, %add3A_76, %dma_wait3A_228] : memref<4x8192x1024xf32, #tpu.memory_space<hbm>> -> memref<1x32x1024xf32, #tpu.memory_space<hbm>>
    %dma_wait3A_230 = tpu.memref_squeeze %dma_wait3A_229 : memref<1x32x1024xf32, #tpu.memory_space<hbm>> -> memref<32x1024xf32, #tpu.memory_space<hbm>>
    %dma_wait3A_231 = arith.constant 0 : i32
    %dma_wait3A_232 = tpu.memref_slice %arg3[%dma_wait3A_227, %add3A_76, %dma_wait3A_231] : memref<4x8192x1024xf32, #tpu.memory_space<hbm>> -> memref<1x32x1024xf32, #tpu.memory_space<hbm>>
    %dma_wait3A_233 = tpu.memref_squeeze %dma_wait3A_232 : memref<1x32x1024xf32, #tpu.memory_space<hbm>> -> memref<32x1024xf32, #tpu.memory_space<hbm>>
    tpu.wait_dma2 semaphore(%arg11 : memref<!tpu.dma_semaphore, #tpu.memory_space<semaphore_mem>>) src(%arg5 : memref<32x1024xf32, #tpu.memory_space<vmem>>) dst(%dma_wait3A_233 : memref<32x1024xf32, #tpu.memory_space<hbm>>)
    %dma_wait3A_234 = arith.constant 3 : i32
    %dma_wait3A_235 = arith.constant 0 : i32
    %dma_wait3A_236 = tpu.memref_slice %arg3[%dma_wait3A_234, %add3A_85, %dma_wait3A_235] : memref<4x8192x1024xf32, #tpu.memory_space<hbm>> -> memref<1x32x1024xf32, #tpu.memory_space<hbm>>
    %dma_wait3A_237 = tpu.memref_squeeze %dma_wait3A_236 : memref<1x32x1024xf32, #tpu.memory_space<hbm>> -> memref<32x1024xf32, #tpu.memory_space<hbm>>
    %dma_wait3A_238 = arith.constant 0 : i32
    %dma_wait3A_239 = tpu.memref_slice %arg3[%dma_wait3A_234, %add3A_85, %dma_wait3A_238] : memref<4x8192x1024xf32, #tpu.memory_space<hbm>> -> memref<1x32x1024xf32, #tpu.memory_space<hbm>>
    %dma_wait3A_240 = tpu.memref_squeeze %dma_wait3A_239 : memref<1x32x1024xf32, #tpu.memory_space<hbm>> -> memref<32x1024xf32, #tpu.memory_space<hbm>>
    tpu.wait_dma2 semaphore(%arg11 : memref<!tpu.dma_semaphore, #tpu.memory_space<semaphore_mem>>) src(%arg5 : memref<32x1024xf32, #tpu.memory_space<vmem>>) dst(%dma_wait3A_240 : memref<32x1024xf32, #tpu.memory_space<hbm>>)
    %add3A_241 = arith.constant 128 : i32
    %add3A_242 = arith.addi %mul3A_2, %add3A_241 : i32
    %dma_start3A_243 = arith.constant 0 : i32
    %dma_start3A_244 = tpu.memref_slice %arg2[%add3A_242, %dma_start3A_243] : memref<8192x1024xf32, #tpu.memory_space<hbm>> -> memref<32x1024xf32, #tpu.memory_space<hbm>>
    %dma_start3A_245 = arith.constant 0 : i32
    %dma_start3A_246 = tpu.memref_slice %arg2[%add3A_242, %dma_start3A_245] : memref<8192x1024xf32, #tpu.memory_space<hbm>> -> memref<32x1024xf32, #tpu.memory_space<hbm>>
    tpu.enqueue_dma source(%dma_start3A_246 : memref<32x1024xf32, #tpu.memory_space<hbm>>) target(%arg5 : memref<32x1024xf32, #tpu.memory_space<vmem>>) target_semaphore(%arg8 : memref<!tpu.dma_semaphore, #tpu.memory_space<semaphore_mem>>)
    %dma_wait3A_247 = arith.constant 0 : i32
    %dma_wait3A_248 = tpu.memref_slice %arg2[%add3A_242, %dma_wait3A_247] : memref<8192x1024xf32, #tpu.memory_space<hbm>> -> memref<32x1024xf32, #tpu.memory_space<hbm>>
    %dma_wait3A_249 = arith.constant 0 : i32
    %dma_wait3A_250 = tpu.memref_slice %arg2[%add3A_242, %dma_wait3A_249] : memref<8192x1024xf32, #tpu.memory_space<hbm>> -> memref<32x1024xf32, #tpu.memory_space<hbm>>
    tpu.wait_dma2 semaphore(%arg8 : memref<!tpu.dma_semaphore, #tpu.memory_space<semaphore_mem>>) src(%dma_wait3A_250 : memref<32x1024xf32, #tpu.memory_space<hbm>>) dst(%arg5 : memref<32x1024xf32, #tpu.memory_space<vmem>>)
    %add3A_251 = arith.constant 128 : i32
    %add3A_252 = arith.addi %mul3A_2, %add3A_251 : i32
    %dma_start3A_253 = arith.constant 0 : i32
    %dma_start3A_254 = arith.constant 0 : i32
    %dma_start3A_255 = tpu.memref_slice %arg3[%dma_start3A_253, %add3A_252, %dma_start3A_254] : memref<4x8192x1024xf32, #tpu.memory_space<hbm>> -> memref<1x32x1024xf32, #tpu.memory_space<hbm>>
    %dma_start3A_256 = tpu.memref_squeeze %dma_start3A_255 : memref<1x32x1024xf32, #tpu.memory_space<hbm>> -> memref<32x1024xf32, #tpu.memory_space<hbm>>
    %dma_start3A_257 = arith.constant 0 : i32
    %dma_start3A_258 = tpu.memref_slice %arg3[%dma_start3A_253, %add3A_252, %dma_start3A_257] : memref<4x8192x1024xf32, #tpu.memory_space<hbm>> -> memref<1x32x1024xf32, #tpu.memory_space<hbm>>
    %dma_start3A_259 = tpu.memref_squeeze %dma_start3A_258 : memref<1x32x1024xf32, #tpu.memory_space<hbm>> -> memref<32x1024xf32, #tpu.memory_space<hbm>>
    tpu.enqueue_dma source(%arg5 : memref<32x1024xf32, #tpu.memory_space<vmem>>) target(%dma_start3A_259 : memref<32x1024xf32, #tpu.memory_space<hbm>>) target_semaphore(%arg11 : memref<!tpu.dma_semaphore, #tpu.memory_space<semaphore_mem>>)
    %add3A_260 = arith.constant 128 : i32
    %add3A_261 = arith.addi %mul3A_2, %add3A_260 : i32
    %dma_start3A_262 = arith.constant 1 : i32
    %dma_start3A_263 = arith.constant 0 : i32
    %dma_start3A_264 = tpu.memref_slice %arg3[%dma_start3A_262, %add3A_261, %dma_start3A_263] : memref<4x8192x1024xf32, #tpu.memory_space<hbm>> -> memref<1x32x1024xf32, #tpu.memory_space<hbm>>
    %dma_start3A_265 = tpu.memref_squeeze %dma_start3A_264 : memref<1x32x1024xf32, #tpu.memory_space<hbm>> -> memref<32x1024xf32, #tpu.memory_space<hbm>>
    %dma_start3A_266 = arith.constant 0 : i32
    %dma_start3A_267 = tpu.memref_slice %arg3[%dma_start3A_262, %add3A_261, %dma_start3A_266] : memref<4x8192x1024xf32, #tpu.memory_space<hbm>> -> memref<1x32x1024xf32, #tpu.memory_space<hbm>>
    %dma_start3A_268 = tpu.memref_squeeze %dma_start3A_267 : memref<1x32x1024xf32, #tpu.memory_space<hbm>> -> memref<32x1024xf32, #tpu.memory_space<hbm>>
    tpu.enqueue_dma source(%arg5 : memref<32x1024xf32, #tpu.memory_space<vmem>>) target(%dma_start3A_268 : memref<32x1024xf32, #tpu.memory_space<hbm>>) target_semaphore(%arg11 : memref<!tpu.dma_semaphore, #tpu.memory_space<semaphore_mem>>)
    %add3A_269 = arith.constant 128 : i32
    %add3A_270 = arith.addi %mul3A_2, %add3A_269 : i32
    %dma_start3A_271 = arith.constant 2 : i32
    %dma_start3A_272 = arith.constant 0 : i32
    %dma_start3A_273 = tpu.memref_slice %arg3[%dma_start3A_271, %add3A_270, %dma_start3A_272] : memref<4x8192x1024xf32, #tpu.memory_space<hbm>> -> memref<1x32x1024xf32, #tpu.memory_space<hbm>>
    %dma_start3A_274 = tpu.memref_squeeze %dma_start3A_273 : memref<1x32x1024xf32, #tpu.memory_space<hbm>> -> memref<32x1024xf32, #tpu.memory_space<hbm>>
    %dma_start3A_275 = arith.constant 0 : i32
    %dma_start3A_276 = tpu.memref_slice %arg3[%dma_start3A_271, %add3A_270, %dma_start3A_275] : memref<4x8192x1024xf32, #tpu.memory_space<hbm>> -> memref<1x32x1024xf32, #tpu.memory_space<hbm>>
    %dma_start3A_277 = tpu.memref_squeeze %dma_start3A_276 : memref<1x32x1024xf32, #tpu.memory_space<hbm>> -> memref<32x1024xf32, #tpu.memory_space<hbm>>
    tpu.enqueue_dma source(%arg5 : memref<32x1024xf32, #tpu.memory_space<vmem>>) target(%dma_start3A_277 : memref<32x1024xf32, #tpu.memory_space<hbm>>) target_semaphore(%arg11 : memref<!tpu.dma_semaphore, #tpu.memory_space<semaphore_mem>>)
    %add3A_278 = arith.constant 128 : i32
    %add3A_279 = arith.addi %mul3A_2, %add3A_278 : i32
    %dma_start3A_280 = arith.constant 3 : i32
    %dma_start3A_281 = arith.constant 0 : i32
    %dma_start3A_282 = tpu.memref_slice %arg3[%dma_start3A_280, %add3A_279, %dma_start3A_281] : memref<4x8192x1024xf32, #tpu.memory_space<hbm>> -> memref<1x32x1024xf32, #tpu.memory_space<hbm>>
    %dma_start3A_283 = tpu.memref_squeeze %dma_start3A_282 : memref<1x32x1024xf32, #tpu.memory_space<hbm>> -> memref<32x1024xf32, #tpu.memory_space<hbm>>
    %dma_start3A_284 = arith.constant 0 : i32
    %dma_start3A_285 = tpu.memref_slice %arg3[%dma_start3A_280, %add3A_279, %dma_start3A_284] : memref<4x8192x1024xf32, #tpu.memory_space<hbm>> -> memref<1x32x1024xf32, #tpu.memory_space<hbm>>
    %dma_start3A_286 = tpu.memref_squeeze %dma_start3A_285 : memref<1x32x1024xf32, #tpu.memory_space<hbm>> -> memref<32x1024xf32, #tpu.memory_space<hbm>>
    tpu.enqueue_dma source(%arg5 : memref<32x1024xf32, #tpu.memory_space<vmem>>) target(%dma_start3A_286 : memref<32x1024xf32, #tpu.memory_space<hbm>>) target_semaphore(%arg11 : memref<!tpu.dma_semaphore, #tpu.memory_space<semaphore_mem>>)
    %dma_wait3A_287 = arith.constant 0 : i32
    %dma_wait3A_288 = arith.constant 0 : i32
    %dma_wait3A_289 = tpu.memref_slice %arg3[%dma_wait3A_287, %add3A_104, %dma_wait3A_288] : memref<4x8192x1024xf32, #tpu.memory_space<hbm>> -> memref<1x32x1024xf32, #tpu.memory_space<hbm>>
    %dma_wait3A_290 = tpu.memref_squeeze %dma_wait3A_289 : memref<1x32x1024xf32, #tpu.memory_space<hbm>> -> memref<32x1024xf32, #tpu.memory_space<hbm>>
    %dma_wait3A_291 = arith.constant 0 : i32
    %dma_wait3A_292 = tpu.memref_slice %arg3[%dma_wait3A_287, %add3A_104, %dma_wait3A_291] : memref<4x8192x1024xf32, #tpu.memory_space<hbm>> -> memref<1x32x1024xf32, #tpu.memory_space<hbm>>
    %dma_wait3A_293 = tpu.memref_squeeze %dma_wait3A_292 : memref<1x32x1024xf32, #tpu.memory_space<hbm>> -> memref<32x1024xf32, #tpu.memory_space<hbm>>
    tpu.wait_dma2 semaphore(%arg12 : memref<!tpu.dma_semaphore, #tpu.memory_space<semaphore_mem>>) src(%arg6 : memref<32x1024xf32, #tpu.memory_space<vmem>>) dst(%dma_wait3A_293 : memref<32x1024xf32, #tpu.memory_space<hbm>>)
    %dma_wait3A_294 = arith.constant 1 : i32
    %dma_wait3A_295 = arith.constant 0 : i32
    %dma_wait3A_296 = tpu.memref_slice %arg3[%dma_wait3A_294, %add3A_113, %dma_wait3A_295] : memref<4x8192x1024xf32, #tpu.memory_space<hbm>> -> memref<1x32x1024xf32, #tpu.memory_space<hbm>>
    %dma_wait3A_297 = tpu.memref_squeeze %dma_wait3A_296 : memref<1x32x1024xf32, #tpu.memory_space<hbm>> -> memref<32x1024xf32, #tpu.memory_space<hbm>>
    %dma_wait3A_298 = arith.constant 0 : i32
    %dma_wait3A_299 = tpu.memref_slice %arg3[%dma_wait3A_294, %add3A_113, %dma_wait3A_298] : memref<4x8192x1024xf32, #tpu.memory_space<hbm>> -> memref<1x32x1024xf32, #tpu.memory_space<hbm>>
    %dma_wait3A_300 = tpu.memref_squeeze %dma_wait3A_299 : memref<1x32x1024xf32, #tpu.memory_space<hbm>> -> memref<32x1024xf32, #tpu.memory_space<hbm>>
    tpu.wait_dma2 semaphore(%arg12 : memref<!tpu.dma_semaphore, #tpu.memory_space<semaphore_mem>>) src(%arg6 : memref<32x1024xf32, #tpu.memory_space<vmem>>) dst(%dma_wait3A_300 : memref<32x1024xf32, #tpu.memory_space<hbm>>)
    %dma_wait3A_301 = arith.constant 2 : i32
    %dma_wait3A_302 = arith.constant 0 : i32
    %dma_wait3A_303 = tpu.memref_slice %arg3[%dma_wait3A_301, %add3A_122, %dma_wait3A_302] : memref<4x8192x1024xf32, #tpu.memory_space<hbm>> -> memref<1x32x1024xf32, #tpu.memory_space<hbm>>
    %dma_wait3A_304 = tpu.memref_squeeze %dma_wait3A_303 : memref<1x32x1024xf32, #tpu.memory_space<hbm>> -> memref<32x1024xf32, #tpu.memory_space<hbm>>
    %dma_wait3A_305 = arith.constant 0 : i32
    %dma_wait3A_306 = tpu.memref_slice %arg3[%dma_wait3A_301, %add3A_122, %dma_wait3A_305] : memref<4x8192x1024xf32, #tpu.memory_space<hbm>> -> memref<1x32x1024xf32, #tpu.memory_space<hbm>>
    %dma_wait3A_307 = tpu.memref_squeeze %dma_wait3A_306 : memref<1x32x1024xf32, #tpu.memory_space<hbm>> -> memref<32x1024xf32, #tpu.memory_space<hbm>>
    tpu.wait_dma2 semaphore(%arg12 : memref<!tpu.dma_semaphore, #tpu.memory_space<semaphore_mem>>) src(%arg6 : memref<32x1024xf32, #tpu.memory_space<vmem>>) dst(%dma_wait3A_307 : memref<32x1024xf32, #tpu.memory_space<hbm>>)
    %dma_wait3A_308 = arith.constant 3 : i32
    %dma_wait3A_309 = arith.constant 0 : i32
    %dma_wait3A_310 = tpu.memref_slice %arg3[%dma_wait3A_308, %add3A_131, %dma_wait3A_309] : memref<4x8192x1024xf32, #tpu.memory_space<hbm>> -> memref<1x32x1024xf32, #tpu.memory_space<hbm>>
    %dma_wait3A_311 = tpu.memref_squeeze %dma_wait3A_310 : memref<1x32x1024xf32, #tpu.memory_space<hbm>> -> memref<32x1024xf32, #tpu.memory_space<hbm>>
    %dma_wait3A_312 = arith.constant 0 : i32
    %dma_wait3A_313 = tpu.memref_slice %arg3[%dma_wait3A_308, %add3A_131, %dma_wait3A_312] : memref<4x8192x1024xf32, #tpu.memory_space<hbm>> -> memref<1x32x1024xf32, #tpu.memory_space<hbm>>
    %dma_wait3A_314 = tpu.memref_squeeze %dma_wait3A_313 : memref<1x32x1024xf32, #tpu.memory_space<hbm>> -> memref<32x1024xf32, #tpu.memory_space<hbm>>
    tpu.wait_dma2 semaphore(%arg12 : memref<!tpu.dma_semaphore, #tpu.memory_space<semaphore_mem>>) src(%arg6 : memref<32x1024xf32, #tpu.memory_space<vmem>>) dst(%dma_wait3A_314 : memref<32x1024xf32, #tpu.memory_space<hbm>>)
    %add3A_315 = arith.constant 160 : i32
    %add3A_316 = arith.addi %mul3A_2, %add3A_315 : i32
    %dma_start3A_317 = arith.constant 0 : i32
    %dma_start3A_318 = tpu.memref_slice %arg2[%add3A_316, %dma_start3A_317] : memref<8192x1024xf32, #tpu.memory_space<hbm>> -> memref<32x1024xf32, #tpu.memory_space<hbm>>
    %dma_start3A_319 = arith.constant 0 : i32
    %dma_start3A_320 = tpu.memref_slice %arg2[%add3A_316, %dma_start3A_319] : memref<8192x1024xf32, #tpu.memory_space<hbm>> -> memref<32x1024xf32, #tpu.memory_space<hbm>>
    tpu.enqueue_dma source(%dma_start3A_320 : memref<32x1024xf32, #tpu.memory_space<hbm>>) target(%arg6 : memref<32x1024xf32, #tpu.memory_space<vmem>>) target_semaphore(%arg9 : memref<!tpu.dma_semaphore, #tpu.memory_space<semaphore_mem>>)
    %dma_wait3A_321 = arith.constant 0 : i32
    %dma_wait3A_322 = tpu.memref_slice %arg2[%add3A_316, %dma_wait3A_321] : memref<8192x1024xf32, #tpu.memory_space<hbm>> -> memref<32x1024xf32, #tpu.memory_space<hbm>>
    %dma_wait3A_323 = arith.constant 0 : i32
    %dma_wait3A_324 = tpu.memref_slice %arg2[%add3A_316, %dma_wait3A_323] : memref<8192x1024xf32, #tpu.memory_space<hbm>> -> memref<32x1024xf32, #tpu.memory_space<hbm>>
    tpu.wait_dma2 semaphore(%arg9 : memref<!tpu.dma_semaphore, #tpu.memory_space<semaphore_mem>>) src(%dma_wait3A_324 : memref<32x1024xf32, #tpu.memory_space<hbm>>) dst(%arg6 : memref<32x1024xf32, #tpu.memory_space<vmem>>)
    %add3A_325 = arith.constant 160 : i32
    %add3A_326 = arith.addi %mul3A_2, %add3A_325 : i32
    %dma_start3A_327 = arith.constant 0 : i32
    %dma_start3A_328 = arith.constant 0 : i32
    %dma_start3A_329 = tpu.memref_slice %arg3[%dma_start3A_327, %add3A_326, %dma_start3A_328] : memref<4x8192x1024xf32, #tpu.memory_space<hbm>> -> memref<1x32x1024xf32, #tpu.memory_space<hbm>>
    %dma_start3A_330 = tpu.memref_squeeze %dma_start3A_329 : memref<1x32x1024xf32, #tpu.memory_space<hbm>> -> memref<32x1024xf32, #tpu.memory_space<hbm>>
    %dma_start3A_331 = arith.constant 0 : i32
    %dma_start3A_332 = tpu.memref_slice %arg3[%dma_start3A_327, %add3A_326, %dma_start3A_331] : memref<4x8192x1024xf32, #tpu.memory_space<hbm>> -> memref<1x32x1024xf32, #tpu.memory_space<hbm>>
    %dma_start3A_333 = tpu.memref_squeeze %dma_start3A_332 : memref<1x32x1024xf32, #tpu.memory_space<hbm>> -> memref<32x1024xf32, #tpu.memory_space<hbm>>
    tpu.enqueue_dma source(%arg6 : memref<32x1024xf32, #tpu.memory_space<vmem>>) target(%dma_start3A_333 : memref<32x1024xf32, #tpu.memory_space<hbm>>) target_semaphore(%arg12 : memref<!tpu.dma_semaphore, #tpu.memory_space<semaphore_mem>>)
    %add3A_334 = arith.constant 160 : i32
    %add3A_335 = arith.addi %mul3A_2, %add3A_334 : i32
    %dma_start3A_336 = arith.constant 1 : i32
    %dma_start3A_337 = arith.constant 0 : i32
    %dma_start3A_338 = tpu.memref_slice %arg3[%dma_start3A_336, %add3A_335, %dma_start3A_337] : memref<4x8192x1024xf32, #tpu.memory_space<hbm>> -> memref<1x32x1024xf32, #tpu.memory_space<hbm>>
    %dma_start3A_339 = tpu.memref_squeeze %dma_start3A_338 : memref<1x32x1024xf32, #tpu.memory_space<hbm>> -> memref<32x1024xf32, #tpu.memory_space<hbm>>
    %dma_start3A_340 = arith.constant 0 : i32
    %dma_start3A_341 = tpu.memref_slice %arg3[%dma_start3A_336, %add3A_335, %dma_start3A_340] : memref<4x8192x1024xf32, #tpu.memory_space<hbm>> -> memref<1x32x1024xf32, #tpu.memory_space<hbm>>
    %dma_start3A_342 = tpu.memref_squeeze %dma_start3A_341 : memref<1x32x1024xf32, #tpu.memory_space<hbm>> -> memref<32x1024xf32, #tpu.memory_space<hbm>>
    tpu.enqueue_dma source(%arg6 : memref<32x1024xf32, #tpu.memory_space<vmem>>) target(%dma_start3A_342 : memref<32x1024xf32, #tpu.memory_space<hbm>>) target_semaphore(%arg12 : memref<!tpu.dma_semaphore, #tpu.memory_space<semaphore_mem>>)
    %add3A_343 = arith.constant 160 : i32
    %add3A_344 = arith.addi %mul3A_2, %add3A_343 : i32
    %dma_start3A_345 = arith.constant 2 : i32
    %dma_start3A_346 = arith.constant 0 : i32
    %dma_start3A_347 = tpu.memref_slice %arg3[%dma_start3A_345, %add3A_344, %dma_start3A_346] : memref<4x8192x1024xf32, #tpu.memory_space<hbm>> -> memref<1x32x1024xf32, #tpu.memory_space<hbm>>
    %dma_start3A_348 = tpu.memref_squeeze %dma_start3A_347 : memref<1x32x1024xf32, #tpu.memory_space<hbm>> -> memref<32x1024xf32, #tpu.memory_space<hbm>>
    %dma_start3A_349 = arith.constant 0 : i32
    %dma_start3A_350 = tpu.memref_slice %arg3[%dma_start3A_345, %add3A_344, %dma_start3A_349] : memref<4x8192x1024xf32, #tpu.memory_space<hbm>> -> memref<1x32x1024xf32, #tpu.memory_space<hbm>>
    %dma_start3A_351 = tpu.memref_squeeze %dma_start3A_350 : memref<1x32x1024xf32, #tpu.memory_space<hbm>> -> memref<32x1024xf32, #tpu.memory_space<hbm>>
    tpu.enqueue_dma source(%arg6 : memref<32x1024xf32, #tpu.memory_space<vmem>>) target(%dma_start3A_351 : memref<32x1024xf32, #tpu.memory_space<hbm>>) target_semaphore(%arg12 : memref<!tpu.dma_semaphore, #tpu.memory_space<semaphore_mem>>)
    %add3A_352 = arith.constant 160 : i32
    %add3A_353 = arith.addi %mul3A_2, %add3A_352 : i32
    %dma_start3A_354 = arith.constant 3 : i32
    %dma_start3A_355 = arith.constant 0 : i32
    %dma_start3A_356 = tpu.memref_slice %arg3[%dma_start3A_354, %add3A_353, %dma_start3A_355] : memref<4x8192x1024xf32, #tpu.memory_space<hbm>> -> memref<1x32x1024xf32, #tpu.memory_space<hbm>>
    %dma_start3A_357 = tpu.memref_squeeze %dma_start3A_356 : memref<1x32x1024xf32, #tpu.memory_space<hbm>> -> memref<32x1024xf32, #tpu.memory_space<hbm>>
    %dma_start3A_358 = arith.constant 0 : i32
    %dma_start3A_359 = tpu.memref_slice %arg3[%dma_start3A_354, %add3A_353, %dma_start3A_358] : memref<4x8192x1024xf32, #tpu.memory_space<hbm>> -> memref<1x32x1024xf32, #tpu.memory_space<hbm>>
    %dma_start3A_360 = tpu.memref_squeeze %dma_start3A_359 : memref<1x32x1024xf32, #tpu.memory_space<hbm>> -> memref<32x1024xf32, #tpu.memory_space<hbm>>
    tpu.enqueue_dma source(%arg6 : memref<32x1024xf32, #tpu.memory_space<vmem>>) target(%dma_start3A_360 : memref<32x1024xf32, #tpu.memory_space<hbm>>) target_semaphore(%arg12 : memref<!tpu.dma_semaphore, #tpu.memory_space<semaphore_mem>>)
    %dma_wait3A_361 = arith.constant 0 : i32
    %dma_wait3A_362 = arith.constant 0 : i32
    %dma_wait3A_363 = tpu.memref_slice %arg3[%dma_wait3A_361, %add3A_178, %dma_wait3A_362] : memref<4x8192x1024xf32, #tpu.memory_space<hbm>> -> memref<1x32x1024xf32, #tpu.memory_space<hbm>>
    %dma_wait3A_364 = tpu.memref_squeeze %dma_wait3A_363 : memref<1x32x1024xf32, #tpu.memory_space<hbm>> -> memref<32x1024xf32, #tpu.memory_space<hbm>>
    %dma_wait3A_365 = arith.constant 0 : i32
    %dma_wait3A_366 = tpu.memref_slice %arg3[%dma_wait3A_361, %add3A_178, %dma_wait3A_365] : memref<4x8192x1024xf32, #tpu.memory_space<hbm>> -> memref<1x32x1024xf32, #tpu.memory_space<hbm>>
    %dma_wait3A_367 = tpu.memref_squeeze %dma_wait3A_366 : memref<1x32x1024xf32, #tpu.memory_space<hbm>> -> memref<32x1024xf32, #tpu.memory_space<hbm>>
    tpu.wait_dma2 semaphore(%arg10 : memref<!tpu.dma_semaphore, #tpu.memory_space<semaphore_mem>>) src(%arg4 : memref<32x1024xf32, #tpu.memory_space<vmem>>) dst(%dma_wait3A_367 : memref<32x1024xf32, #tpu.memory_space<hbm>>)
    %dma_wait3A_368 = arith.constant 1 : i32
    %dma_wait3A_369 = arith.constant 0 : i32
    %dma_wait3A_370 = tpu.memref_slice %arg3[%dma_wait3A_368, %add3A_187, %dma_wait3A_369] : memref<4x8192x1024xf32, #tpu.memory_space<hbm>> -> memref<1x32x1024xf32, #tpu.memory_space<hbm>>
    %dma_wait3A_371 = tpu.memref_squeeze %dma_wait3A_370 : memref<1x32x1024xf32, #tpu.memory_space<hbm>> -> memref<32x1024xf32, #tpu.memory_space<hbm>>
    %dma_wait3A_372 = arith.constant 0 : i32
    %dma_wait3A_373 = tpu.memref_slice %arg3[%dma_wait3A_368, %add3A_187, %dma_wait3A_372] : memref<4x8192x1024xf32, #tpu.memory_space<hbm>> -> memref<1x32x1024xf32, #tpu.memory_space<hbm>>
    %dma_wait3A_374 = tpu.memref_squeeze %dma_wait3A_373 : memref<1x32x1024xf32, #tpu.memory_space<hbm>> -> memref<32x1024xf32, #tpu.memory_space<hbm>>
    tpu.wait_dma2 semaphore(%arg10 : memref<!tpu.dma_semaphore, #tpu.memory_space<semaphore_mem>>) src(%arg4 : memref<32x1024xf32, #tpu.memory_space<vmem>>) dst(%dma_wait3A_374 : memref<32x1024xf32, #tpu.memory_space<hbm>>)
    %dma_wait3A_375 = arith.constant 2 : i32
    %dma_wait3A_376 = arith.constant 0 : i32
    %dma_wait3A_377 = tpu.memref_slice %arg3[%dma_wait3A_375, %add3A_196, %dma_wait3A_376] : memref<4x8192x1024xf32, #tpu.memory_space<hbm>> -> memref<1x32x1024xf32, #tpu.memory_space<hbm>>
    %dma_wait3A_378 = tpu.memref_squeeze %dma_wait3A_377 : memref<1x32x1024xf32, #tpu.memory_space<hbm>> -> memref<32x1024xf32, #tpu.memory_space<hbm>>
    %dma_wait3A_379 = arith.constant 0 : i32
    %dma_wait3A_380 = tpu.memref_slice %arg3[%dma_wait3A_375, %add3A_196, %dma_wait3A_379] : memref<4x8192x1024xf32, #tpu.memory_space<hbm>> -> memref<1x32x1024xf32, #tpu.memory_space<hbm>>
    %dma_wait3A_381 = tpu.memref_squeeze %dma_wait3A_380 : memref<1x32x1024xf32, #tpu.memory_space<hbm>> -> memref<32x1024xf32, #tpu.memory_space<hbm>>
    tpu.wait_dma2 semaphore(%arg10 : memref<!tpu.dma_semaphore, #tpu.memory_space<semaphore_mem>>) src(%arg4 : memref<32x1024xf32, #tpu.memory_space<vmem>>) dst(%dma_wait3A_381 : memref<32x1024xf32, #tpu.memory_space<hbm>>)
    %dma_wait3A_382 = arith.constant 3 : i32
    %dma_wait3A_383 = arith.constant 0 : i32
    %dma_wait3A_384 = tpu.memref_slice %arg3[%dma_wait3A_382, %add3A_205, %dma_wait3A_383] : memref<4x8192x1024xf32, #tpu.memory_space<hbm>> -> memref<1x32x1024xf32, #tpu.memory_space<hbm>>
    %dma_wait3A_385 = tpu.memref_squeeze %dma_wait3A_384 : memref<1x32x1024xf32, #tpu.memory_space<hbm>> -> memref<32x1024xf32, #tpu.memory_space<hbm>>
    %dma_wait3A_386 = arith.constant 0 : i32
    %dma_wait3A_387 = tpu.memref_slice %arg3[%dma_wait3A_382, %add3A_205, %dma_wait3A_386] : memref<4x8192x1024xf32, #tpu.memory_space<hbm>> -> memref<1x32x1024xf32, #tpu.memory_space<hbm>>
    %dma_wait3A_388 = tpu.memref_squeeze %dma_wait3A_387 : memref<1x32x1024xf32, #tpu.memory_space<hbm>> -> memref<32x1024xf32, #tpu.memory_space<hbm>>
    tpu.wait_dma2 semaphore(%arg10 : memref<!tpu.dma_semaphore, #tpu.memory_space<semaphore_mem>>) src(%arg4 : memref<32x1024xf32, #tpu.memory_space<vmem>>) dst(%dma_wait3A_388 : memref<32x1024xf32, #tpu.memory_space<hbm>>)
    %add3A_389 = arith.constant 192 : i32
    %add3A_390 = arith.addi %mul3A_2, %add3A_389 : i32
    %dma_start3A_391 = arith.constant 0 : i32
    %dma_start3A_392 = tpu.memref_slice %arg2[%add3A_390, %dma_start3A_391] : memref<8192x1024xf32, #tpu.memory_space<hbm>> -> memref<32x1024xf32, #tpu.memory_space<hbm>>
    %dma_start3A_393 = arith.constant 0 : i32
    %dma_start3A_394 = tpu.memref_slice %arg2[%add3A_390, %dma_start3A_393] : memref<8192x1024xf32, #tpu.memory_space<hbm>> -> memref<32x1024xf32, #tpu.memory_space<hbm>>
    tpu.enqueue_dma source(%dma_start3A_394 : memref<32x1024xf32, #tpu.memory_space<hbm>>) target(%arg4 : memref<32x1024xf32, #tpu.memory_space<vmem>>) target_semaphore(%arg7 : memref<!tpu.dma_semaphore, #tpu.memory_space<semaphore_mem>>)
    %dma_wait3A_395 = arith.constant 0 : i32
    %dma_wait3A_396 = tpu.memref_slice %arg2[%add3A_390, %dma_wait3A_395] : memref<8192x1024xf32, #tpu.memory_space<hbm>> -> memref<32x1024xf32, #tpu.memory_space<hbm>>
    %dma_wait3A_397 = arith.constant 0 : i32
    %dma_wait3A_398 = tpu.memref_slice %arg2[%add3A_390, %dma_wait3A_397] : memref<8192x1024xf32, #tpu.memory_space<hbm>> -> memref<32x1024xf32, #tpu.memory_space<hbm>>
    tpu.wait_dma2 semaphore(%arg7 : memref<!tpu.dma_semaphore, #tpu.memory_space<semaphore_mem>>) src(%dma_wait3A_398 : memref<32x1024xf32, #tpu.memory_space<hbm>>) dst(%arg4 : memref<32x1024xf32, #tpu.memory_space<vmem>>)
    %add3A_399 = arith.constant 192 : i32
    %add3A_400 = arith.addi %mul3A_2, %add3A_399 : i32
    %dma_start3A_401 = arith.constant 0 : i32
    %dma_start3A_402 = arith.constant 0 : i32
    %dma_start3A_403 = tpu.memref_slice %arg3[%dma_start3A_401, %add3A_400, %dma_start3A_402] : memref<4x8192x1024xf32, #tpu.memory_space<hbm>> -> memref<1x32x1024xf32, #tpu.memory_space<hbm>>
    %dma_start3A_404 = tpu.memref_squeeze %dma_start3A_403 : memref<1x32x1024xf32, #tpu.memory_space<hbm>> -> memref<32x1024xf32, #tpu.memory_space<hbm>>
    %dma_start3A_405 = arith.constant 0 : i32
    %dma_start3A_406 = tpu.memref_slice %arg3[%dma_start3A_401, %add3A_400, %dma_start3A_405] : memref<4x8192x1024xf32, #tpu.memory_space<hbm>> -> memref<1x32x1024xf32, #tpu.memory_space<hbm>>
    %dma_start3A_407 = tpu.memref_squeeze %dma_start3A_406 : memref<1x32x1024xf32, #tpu.memory_space<hbm>> -> memref<32x1024xf32, #tpu.memory_space<hbm>>
    tpu.enqueue_dma source(%arg4 : memref<32x1024xf32, #tpu.memory_space<vmem>>) target(%dma_start3A_407 : memref<32x1024xf32, #tpu.memory_space<hbm>>) target_semaphore(%arg10 : memref<!tpu.dma_semaphore, #tpu.memory_space<semaphore_mem>>)
    %add3A_408 = arith.constant 192 : i32
    %add3A_409 = arith.addi %mul3A_2, %add3A_408 : i32
    %dma_start3A_410 = arith.constant 1 : i32
    %dma_start3A_411 = arith.constant 0 : i32
    %dma_start3A_412 = tpu.memref_slice %arg3[%dma_start3A_410, %add3A_409, %dma_start3A_411] : memref<4x8192x1024xf32, #tpu.memory_space<hbm>> -> memref<1x32x1024xf32, #tpu.memory_space<hbm>>
    %dma_start3A_413 = tpu.memref_squeeze %dma_start3A_412 : memref<1x32x1024xf32, #tpu.memory_space<hbm>> -> memref<32x1024xf32, #tpu.memory_space<hbm>>
    %dma_start3A_414 = arith.constant 0 : i32
    %dma_start3A_415 = tpu.memref_slice %arg3[%dma_start3A_410, %add3A_409, %dma_start3A_414] : memref<4x8192x1024xf32, #tpu.memory_space<hbm>> -> memref<1x32x1024xf32, #tpu.memory_space<hbm>>
    %dma_start3A_416 = tpu.memref_squeeze %dma_start3A_415 : memref<1x32x1024xf32, #tpu.memory_space<hbm>> -> memref<32x1024xf32, #tpu.memory_space<hbm>>
    tpu.enqueue_dma source(%arg4 : memref<32x1024xf32, #tpu.memory_space<vmem>>) target(%dma_start3A_416 : memref<32x1024xf32, #tpu.memory_space<hbm>>) target_semaphore(%arg10 : memref<!tpu.dma_semaphore, #tpu.memory_space<semaphore_mem>>)
    %add3A_417 = arith.constant 192 : i32
    %add3A_418 = arith.addi %mul3A_2, %add3A_417 : i32
    %dma_start3A_419 = arith.constant 2 : i32
    %dma_start3A_420 = arith.constant 0 : i32
    %dma_start3A_421 = tpu.memref_slice %arg3[%dma_start3A_419, %add3A_418, %dma_start3A_420] : memref<4x8192x1024xf32, #tpu.memory_space<hbm>> -> memref<1x32x1024xf32, #tpu.memory_space<hbm>>
    %dma_start3A_422 = tpu.memref_squeeze %dma_start3A_421 : memref<1x32x1024xf32, #tpu.memory_space<hbm>> -> memref<32x1024xf32, #tpu.memory_space<hbm>>
    %dma_start3A_423 = arith.constant 0 : i32
    %dma_start3A_424 = tpu.memref_slice %arg3[%dma_start3A_419, %add3A_418, %dma_start3A_423] : memref<4x8192x1024xf32, #tpu.memory_space<hbm>> -> memref<1x32x1024xf32, #tpu.memory_space<hbm>>
    %dma_start3A_425 = tpu.memref_squeeze %dma_start3A_424 : memref<1x32x1024xf32, #tpu.memory_space<hbm>> -> memref<32x1024xf32, #tpu.memory_space<hbm>>
    tpu.enqueue_dma source(%arg4 : memref<32x1024xf32, #tpu.memory_space<vmem>>) target(%dma_start3A_425 : memref<32x1024xf32, #tpu.memory_space<hbm>>) target_semaphore(%arg10 : memref<!tpu.dma_semaphore, #tpu.memory_space<semaphore_mem>>)
    %add3A_426 = arith.constant 192 : i32
    %add3A_427 = arith.addi %mul3A_2, %add3A_426 : i32
    %dma_start3A_428 = arith.constant 3 : i32
    %dma_start3A_429 = arith.constant 0 : i32
    %dma_start3A_430 = tpu.memref_slice %arg3[%dma_start3A_428, %add3A_427, %dma_start3A_429] : memref<4x8192x1024xf32, #tpu.memory_space<hbm>> -> memref<1x32x1024xf32, #tpu.memory_space<hbm>>
    %dma_start3A_431 = tpu.memref_squeeze %dma_start3A_430 : memref<1x32x1024xf32, #tpu.memory_space<hbm>> -> memref<32x1024xf32, #tpu.memory_space<hbm>>
    %dma_start3A_432 = arith.constant 0 : i32
    %dma_start3A_433 = tpu.memref_slice %arg3[%dma_start3A_428, %add3A_427, %dma_start3A_432] : memref<4x8192x1024xf32, #tpu.memory_space<hbm>> -> memref<1x32x1024xf32, #tpu.memory_space<hbm>>
    %dma_start3A_434 = tpu.memref_squeeze %dma_start3A_433 : memref<1x32x1024xf32, #tpu.memory_space<hbm>> -> memref<32x1024xf32, #tpu.memory_space<hbm>>
    tpu.enqueue_dma source(%arg4 : memref<32x1024xf32, #tpu.memory_space<vmem>>) target(%dma_start3A_434 : memref<32x1024xf32, #tpu.memory_space<hbm>>) target_semaphore(%arg10 : memref<!tpu.dma_semaphore, #tpu.memory_space<semaphore_mem>>)
    %dma_wait3A_435 = arith.constant 0 : i32
    %dma_wait3A_436 = arith.constant 0 : i32
    %dma_wait3A_437 = tpu.memref_slice %arg3[%dma_wait3A_435, %add3A_252, %dma_wait3A_436] : memref<4x8192x1024xf32, #tpu.memory_space<hbm>> -> memref<1x32x1024xf32, #tpu.memory_space<hbm>>
    %dma_wait3A_438 = tpu.memref_squeeze %dma_wait3A_437 : memref<1x32x1024xf32, #tpu.memory_space<hbm>> -> memref<32x1024xf32, #tpu.memory_space<hbm>>
    %dma_wait3A_439 = arith.constant 0 : i32
    %dma_wait3A_440 = tpu.memref_slice %arg3[%dma_wait3A_435, %add3A_252, %dma_wait3A_439] : memref<4x8192x1024xf32, #tpu.memory_space<hbm>> -> memref<1x32x1024xf32, #tpu.memory_space<hbm>>
    %dma_wait3A_441 = tpu.memref_squeeze %dma_wait3A_440 : memref<1x32x1024xf32, #tpu.memory_space<hbm>> -> memref<32x1024xf32, #tpu.memory_space<hbm>>
    tpu.wait_dma2 semaphore(%arg11 : memref<!tpu.dma_semaphore, #tpu.memory_space<semaphore_mem>>) src(%arg5 : memref<32x1024xf32, #tpu.memory_space<vmem>>) dst(%dma_wait3A_441 : memref<32x1024xf32, #tpu.memory_space<hbm>>)
    %dma_wait3A_442 = arith.constant 1 : i32
    %dma_wait3A_443 = arith.constant 0 : i32
    %dma_wait3A_444 = tpu.memref_slice %arg3[%dma_wait3A_442, %add3A_261, %dma_wait3A_443] : memref<4x8192x1024xf32, #tpu.memory_space<hbm>> -> memref<1x32x1024xf32, #tpu.memory_space<hbm>>
    %dma_wait3A_445 = tpu.memref_squeeze %dma_wait3A_444 : memref<1x32x1024xf32, #tpu.memory_space<hbm>> -> memref<32x1024xf32, #tpu.memory_space<hbm>>
    %dma_wait3A_446 = arith.constant 0 : i32
    %dma_wait3A_447 = tpu.memref_slice %arg3[%dma_wait3A_442, %add3A_261, %dma_wait3A_446] : memref<4x8192x1024xf32, #tpu.memory_space<hbm>> -> memref<1x32x1024xf32, #tpu.memory_space<hbm>>
    %dma_wait3A_448 = tpu.memref_squeeze %dma_wait3A_447 : memref<1x32x1024xf32, #tpu.memory_space<hbm>> -> memref<32x1024xf32, #tpu.memory_space<hbm>>
    tpu.wait_dma2 semaphore(%arg11 : memref<!tpu.dma_semaphore, #tpu.memory_space<semaphore_mem>>) src(%arg5 : memref<32x1024xf32, #tpu.memory_space<vmem>>) dst(%dma_wait3A_448 : memref<32x1024xf32, #tpu.memory_space<hbm>>)
    %dma_wait3A_449 = arith.constant 2 : i32
    %dma_wait3A_450 = arith.constant 0 : i32
    %dma_wait3A_451 = tpu.memref_slice %arg3[%dma_wait3A_449, %add3A_270, %dma_wait3A_450] : memref<4x8192x1024xf32, #tpu.memory_space<hbm>> -> memref<1x32x1024xf32, #tpu.memory_space<hbm>>
    %dma_wait3A_452 = tpu.memref_squeeze %dma_wait3A_451 : memref<1x32x1024xf32, #tpu.memory_space<hbm>> -> memref<32x1024xf32, #tpu.memory_space<hbm>>
    %dma_wait3A_453 = arith.constant 0 : i32
    %dma_wait3A_454 = tpu.memref_slice %arg3[%dma_wait3A_449, %add3A_270, %dma_wait3A_453] : memref<4x8192x1024xf32, #tpu.memory_space<hbm>> -> memref<1x32x1024xf32, #tpu.memory_space<hbm>>
    %dma_wait3A_455 = tpu.memref_squeeze %dma_wait3A_454 : memref<1x32x1024xf32, #tpu.memory_space<hbm>> -> memref<32x1024xf32, #tpu.memory_space<hbm>>
    tpu.wait_dma2 semaphore(%arg11 : memref<!tpu.dma_semaphore, #tpu.memory_space<semaphore_mem>>) src(%arg5 : memref<32x1024xf32, #tpu.memory_space<vmem>>) dst(%dma_wait3A_455 : memref<32x1024xf32, #tpu.memory_space<hbm>>)
    %dma_wait3A_456 = arith.constant 3 : i32
    %dma_wait3A_457 = arith.constant 0 : i32
    %dma_wait3A_458 = tpu.memref_slice %arg3[%dma_wait3A_456, %add3A_279, %dma_wait3A_457] : memref<4x8192x1024xf32, #tpu.memory_space<hbm>> -> memref<1x32x1024xf32, #tpu.memory_space<hbm>>
    %dma_wait3A_459 = tpu.memref_squeeze %dma_wait3A_458 : memref<1x32x1024xf32, #tpu.memory_space<hbm>> -> memref<32x1024xf32, #tpu.memory_space<hbm>>
    %dma_wait3A_460 = arith.constant 0 : i32
    %dma_wait3A_461 = tpu.memref_slice %arg3[%dma_wait3A_456, %add3A_279, %dma_wait3A_460] : memref<4x8192x1024xf32, #tpu.memory_space<hbm>> -> memref<1x32x1024xf32, #tpu.memory_space<hbm>>
    %dma_wait3A_462 = tpu.memref_squeeze %dma_wait3A_461 : memref<1x32x1024xf32, #tpu.memory_space<hbm>> -> memref<32x1024xf32, #tpu.memory_space<hbm>>
    tpu.wait_dma2 semaphore(%arg11 : memref<!tpu.dma_semaphore, #tpu.memory_space<semaphore_mem>>) src(%arg5 : memref<32x1024xf32, #tpu.memory_space<vmem>>) dst(%dma_wait3A_462 : memref<32x1024xf32, #tpu.memory_space<hbm>>)
    %add3A_463 = arith.constant 224 : i32
    %add3A_464 = arith.addi %mul3A_2, %add3A_463 : i32
    %dma_start3A_465 = arith.constant 0 : i32
    %dma_start3A_466 = tpu.memref_slice %arg2[%add3A_464, %dma_start3A_465] : memref<8192x1024xf32, #tpu.memory_space<hbm>> -> memref<32x1024xf32, #tpu.memory_space<hbm>>
    %dma_start3A_467 = arith.constant 0 : i32
    %dma_start3A_468 = tpu.memref_slice %arg2[%add3A_464, %dma_start3A_467] : memref<8192x1024xf32, #tpu.memory_space<hbm>> -> memref<32x1024xf32, #tpu.memory_space<hbm>>
    tpu.enqueue_dma source(%dma_start3A_468 : memref<32x1024xf32, #tpu.memory_space<hbm>>) target(%arg5 : memref<32x1024xf32, #tpu.memory_space<vmem>>) target_semaphore(%arg8 : memref<!tpu.dma_semaphore, #tpu.memory_space<semaphore_mem>>)
    %dma_wait3A_469 = arith.constant 0 : i32
    %dma_wait3A_470 = tpu.memref_slice %arg2[%add3A_464, %dma_wait3A_469] : memref<8192x1024xf32, #tpu.memory_space<hbm>> -> memref<32x1024xf32, #tpu.memory_space<hbm>>
    %dma_wait3A_471 = arith.constant 0 : i32
    %dma_wait3A_472 = tpu.memref_slice %arg2[%add3A_464, %dma_wait3A_471] : memref<8192x1024xf32, #tpu.memory_space<hbm>> -> memref<32x1024xf32, #tpu.memory_space<hbm>>
    tpu.wait_dma2 semaphore(%arg8 : memref<!tpu.dma_semaphore, #tpu.memory_space<semaphore_mem>>) src(%dma_wait3A_472 : memref<32x1024xf32, #tpu.memory_space<hbm>>) dst(%arg5 : memref<32x1024xf32, #tpu.memory_space<vmem>>)
    %add3A_473 = arith.constant 224 : i32
    %add3A_474 = arith.addi %mul3A_2, %add3A_473 : i32
    %dma_start3A_475 = arith.constant 0 : i32
    %dma_start3A_476 = arith.constant 0 : i32
    %dma_start3A_477 = tpu.memref_slice %arg3[%dma_start3A_475, %add3A_474, %dma_start3A_476] : memref<4x8192x1024xf32, #tpu.memory_space<hbm>> -> memref<1x32x1024xf32, #tpu.memory_space<hbm>>
    %dma_start3A_478 = tpu.memref_squeeze %dma_start3A_477 : memref<1x32x1024xf32, #tpu.memory_space<hbm>> -> memref<32x1024xf32, #tpu.memory_space<hbm>>
    %dma_start3A_479 = arith.constant 0 : i32
    %dma_start3A_480 = tpu.memref_slice %arg3[%dma_start3A_475, %add3A_474, %dma_start3A_479] : memref<4x8192x1024xf32, #tpu.memory_space<hbm>> -> memref<1x32x1024xf32, #tpu.memory_space<hbm>>
    %dma_start3A_481 = tpu.memref_squeeze %dma_start3A_480 : memref<1x32x1024xf32, #tpu.memory_space<hbm>> -> memref<32x1024xf32, #tpu.memory_space<hbm>>
    tpu.enqueue_dma source(%arg5 : memref<32x1024xf32, #tpu.memory_space<vmem>>) target(%dma_start3A_481 : memref<32x1024xf32, #tpu.memory_space<hbm>>) target_semaphore(%arg11 : memref<!tpu.dma_semaphore, #tpu.memory_space<semaphore_mem>>)
    %add3A_482 = arith.constant 224 : i32
    %add3A_483 = arith.addi %mul3A_2, %add3A_482 : i32
    %dma_start3A_484 = arith.constant 1 : i32
    %dma_start3A_485 = arith.constant 0 : i32
    %dma_start3A_486 = tpu.memref_slice %arg3[%dma_start3A_484, %add3A_483, %dma_start3A_485] : memref<4x8192x1024xf32, #tpu.memory_space<hbm>> -> memref<1x32x1024xf32, #tpu.memory_space<hbm>>
    %dma_start3A_487 = tpu.memref_squeeze %dma_start3A_486 : memref<1x32x1024xf32, #tpu.memory_space<hbm>> -> memref<32x1024xf32, #tpu.memory_space<hbm>>
    %dma_start3A_488 = arith.constant 0 : i32
    %dma_start3A_489 = tpu.memref_slice %arg3[%dma_start3A_484, %add3A_483, %dma_start3A_488] : memref<4x8192x1024xf32, #tpu.memory_space<hbm>> -> memref<1x32x1024xf32, #tpu.memory_space<hbm>>
    %dma_start3A_490 = tpu.memref_squeeze %dma_start3A_489 : memref<1x32x1024xf32, #tpu.memory_space<hbm>> -> memref<32x1024xf32, #tpu.memory_space<hbm>>
    tpu.enqueue_dma source(%arg5 : memref<32x1024xf32, #tpu.memory_space<vmem>>) target(%dma_start3A_490 : memref<32x1024xf32, #tpu.memory_space<hbm>>) target_semaphore(%arg11 : memref<!tpu.dma_semaphore, #tpu.memory_space<semaphore_mem>>)
    %add3A_491 = arith.constant 224 : i32
    %add3A_492 = arith.addi %mul3A_2, %add3A_491 : i32
    %dma_start3A_493 = arith.constant 2 : i32
    %dma_start3A_494 = arith.constant 0 : i32
    %dma_start3A_495 = tpu.memref_slice %arg3[%dma_start3A_493, %add3A_492, %dma_start3A_494] : memref<4x8192x1024xf32, #tpu.memory_space<hbm>> -> memref<1x32x1024xf32, #tpu.memory_space<hbm>>
    %dma_start3A_496 = tpu.memref_squeeze %dma_start3A_495 : memref<1x32x1024xf32, #tpu.memory_space<hbm>> -> memref<32x1024xf32, #tpu.memory_space<hbm>>
    %dma_start3A_497 = arith.constant 0 : i32
    %dma_start3A_498 = tpu.memref_slice %arg3[%dma_start3A_493, %add3A_492, %dma_start3A_497] : memref<4x8192x1024xf32, #tpu.memory_space<hbm>> -> memref<1x32x1024xf32, #tpu.memory_space<hbm>>
    %dma_start3A_499 = tpu.memref_squeeze %dma_start3A_498 : memref<1x32x1024xf32, #tpu.memory_space<hbm>> -> memref<32x1024xf32, #tpu.memory_space<hbm>>
    tpu.enqueue_dma source(%arg5 : memref<32x1024xf32, #tpu.memory_space<vmem>>) target(%dma_start3A_499 : memref<32x1024xf32, #tpu.memory_space<hbm>>) target_semaphore(%arg11 : memref<!tpu.dma_semaphore, #tpu.memory_space<semaphore_mem>>)
    %add3A_500 = arith.constant 224 : i32
    %add3A_501 = arith.addi %mul3A_2, %add3A_500 : i32
    %dma_start3A_502 = arith.constant 3 : i32
    %dma_start3A_503 = arith.constant 0 : i32
    %dma_start3A_504 = tpu.memref_slice %arg3[%dma_start3A_502, %add3A_501, %dma_start3A_503] : memref<4x8192x1024xf32, #tpu.memory_space<hbm>> -> memref<1x32x1024xf32, #tpu.memory_space<hbm>>
    %dma_start3A_505 = tpu.memref_squeeze %dma_start3A_504 : memref<1x32x1024xf32, #tpu.memory_space<hbm>> -> memref<32x1024xf32, #tpu.memory_space<hbm>>
    %dma_start3A_506 = arith.constant 0 : i32
    %dma_start3A_507 = tpu.memref_slice %arg3[%dma_start3A_502, %add3A_501, %dma_start3A_506] : memref<4x8192x1024xf32, #tpu.memory_space<hbm>> -> memref<1x32x1024xf32, #tpu.memory_space<hbm>>
    %dma_start3A_508 = tpu.memref_squeeze %dma_start3A_507 : memref<1x32x1024xf32, #tpu.memory_space<hbm>> -> memref<32x1024xf32, #tpu.memory_space<hbm>>
    tpu.enqueue_dma source(%arg5 : memref<32x1024xf32, #tpu.memory_space<vmem>>) target(%dma_start3A_508 : memref<32x1024xf32, #tpu.memory_space<hbm>>) target_semaphore(%arg11 : memref<!tpu.dma_semaphore, #tpu.memory_space<semaphore_mem>>)
    %dma_wait3A_509 = arith.constant 0 : i32
    %dma_wait3A_510 = arith.constant 0 : i32
    %dma_wait3A_511 = tpu.memref_slice %arg3[%dma_wait3A_509, %add3A_400, %dma_wait3A_510] : memref<4x8192x1024xf32, #tpu.memory_space<hbm>> -> memref<1x32x1024xf32, #tpu.memory_space<hbm>>
    %dma_wait3A_512 = tpu.memref_squeeze %dma_wait3A_511 : memref<1x32x1024xf32, #tpu.memory_space<hbm>> -> memref<32x1024xf32, #tpu.memory_space<hbm>>
    %dma_wait3A_513 = arith.constant 0 : i32
    %dma_wait3A_514 = tpu.memref_slice %arg3[%dma_wait3A_509, %add3A_400, %dma_wait3A_513] : memref<4x8192x1024xf32, #tpu.memory_space<hbm>> -> memref<1x32x1024xf32, #tpu.memory_space<hbm>>
    %dma_wait3A_515 = tpu.memref_squeeze %dma_wait3A_514 : memref<1x32x1024xf32, #tpu.memory_space<hbm>> -> memref<32x1024xf32, #tpu.memory_space<hbm>>
    tpu.wait_dma2 semaphore(%arg10 : memref<!tpu.dma_semaphore, #tpu.memory_space<semaphore_mem>>) src(%arg4 : memref<32x1024xf32, #tpu.memory_space<vmem>>) dst(%dma_wait3A_515 : memref<32x1024xf32, #tpu.memory_space<hbm>>)
    %dma_wait3A_516 = arith.constant 1 : i32
    %dma_wait3A_517 = arith.constant 0 : i32
    %dma_wait3A_518 = tpu.memref_slice %arg3[%dma_wait3A_516, %add3A_409, %dma_wait3A_517] : memref<4x8192x1024xf32, #tpu.memory_space<hbm>> -> memref<1x32x1024xf32, #tpu.memory_space<hbm>>
    %dma_wait3A_519 = tpu.memref_squeeze %dma_wait3A_518 : memref<1x32x1024xf32, #tpu.memory_space<hbm>> -> memref<32x1024xf32, #tpu.memory_space<hbm>>
    %dma_wait3A_520 = arith.constant 0 : i32
    %dma_wait3A_521 = tpu.memref_slice %arg3[%dma_wait3A_516, %add3A_409, %dma_wait3A_520] : memref<4x8192x1024xf32, #tpu.memory_space<hbm>> -> memref<1x32x1024xf32, #tpu.memory_space<hbm>>
    %dma_wait3A_522 = tpu.memref_squeeze %dma_wait3A_521 : memref<1x32x1024xf32, #tpu.memory_space<hbm>> -> memref<32x1024xf32, #tpu.memory_space<hbm>>
    tpu.wait_dma2 semaphore(%arg10 : memref<!tpu.dma_semaphore, #tpu.memory_space<semaphore_mem>>) src(%arg4 : memref<32x1024xf32, #tpu.memory_space<vmem>>) dst(%dma_wait3A_522 : memref<32x1024xf32, #tpu.memory_space<hbm>>)
    %dma_wait3A_523 = arith.constant 2 : i32
    %dma_wait3A_524 = arith.constant 0 : i32
    %dma_wait3A_525 = tpu.memref_slice %arg3[%dma_wait3A_523, %add3A_418, %dma_wait3A_524] : memref<4x8192x1024xf32, #tpu.memory_space<hbm>> -> memref<1x32x1024xf32, #tpu.memory_space<hbm>>
    %dma_wait3A_526 = tpu.memref_squeeze %dma_wait3A_525 : memref<1x32x1024xf32, #tpu.memory_space<hbm>> -> memref<32x1024xf32, #tpu.memory_space<hbm>>
    %dma_wait3A_527 = arith.constant 0 : i32
    %dma_wait3A_528 = tpu.memref_slice %arg3[%dma_wait3A_523, %add3A_418, %dma_wait3A_527] : memref<4x8192x1024xf32, #tpu.memory_space<hbm>> -> memref<1x32x1024xf32, #tpu.memory_space<hbm>>
    %dma_wait3A_529 = tpu.memref_squeeze %dma_wait3A_528 : memref<1x32x1024xf32, #tpu.memory_space<hbm>> -> memref<32x1024xf32, #tpu.memory_space<hbm>>
    tpu.wait_dma2 semaphore(%arg10 : memref<!tpu.dma_semaphore, #tpu.memory_space<semaphore_mem>>) src(%arg4 : memref<32x1024xf32, #tpu.memory_space<vmem>>) dst(%dma_wait3A_529 : memref<32x1024xf32, #tpu.memory_space<hbm>>)
    %dma_wait3A_530 = arith.constant 3 : i32
    %dma_wait3A_531 = arith.constant 0 : i32
    %dma_wait3A_532 = tpu.memref_slice %arg3[%dma_wait3A_530, %add3A_427, %dma_wait3A_531] : memref<4x8192x1024xf32, #tpu.memory_space<hbm>> -> memref<1x32x1024xf32, #tpu.memory_space<hbm>>
    %dma_wait3A_533 = tpu.memref_squeeze %dma_wait3A_532 : memref<1x32x1024xf32, #tpu.memory_space<hbm>> -> memref<32x1024xf32, #tpu.memory_space<hbm>>
    %dma_wait3A_534 = arith.constant 0 : i32
    %dma_wait3A_535 = tpu.memref_slice %arg3[%dma_wait3A_530, %add3A_427, %dma_wait3A_534] : memref<4x8192x1024xf32, #tpu.memory_space<hbm>> -> memref<1x32x1024xf32, #tpu.memory_space<hbm>>
    %dma_wait3A_536 = tpu.memref_squeeze %dma_wait3A_535 : memref<1x32x1024xf32, #tpu.memory_space<hbm>> -> memref<32x1024xf32, #tpu.memory_space<hbm>>
    tpu.wait_dma2 semaphore(%arg10 : memref<!tpu.dma_semaphore, #tpu.memory_space<semaphore_mem>>) src(%arg4 : memref<32x1024xf32, #tpu.memory_space<vmem>>) dst(%dma_wait3A_536 : memref<32x1024xf32, #tpu.memory_space<hbm>>)
    %dma_wait3A_537 = arith.constant 0 : i32
    %dma_wait3A_538 = arith.constant 0 : i32
    %dma_wait3A_539 = tpu.memref_slice %arg3[%dma_wait3A_537, %add3A_474, %dma_wait3A_538] : memref<4x8192x1024xf32, #tpu.memory_space<hbm>> -> memref<1x32x1024xf32, #tpu.memory_space<hbm>>
    %dma_wait3A_540 = tpu.memref_squeeze %dma_wait3A_539 : memref<1x32x1024xf32, #tpu.memory_space<hbm>> -> memref<32x1024xf32, #tpu.memory_space<hbm>>
    %dma_wait3A_541 = arith.constant 0 : i32
    %dma_wait3A_542 = tpu.memref_slice %arg3[%dma_wait3A_537, %add3A_474, %dma_wait3A_541] : memref<4x8192x1024xf32, #tpu.memory_space<hbm>> -> memref<1x32x1024xf32, #tpu.memory_space<hbm>>
    %dma_wait3A_543 = tpu.memref_squeeze %dma_wait3A_542 : memref<1x32x1024xf32, #tpu.memory_space<hbm>> -> memref<32x1024xf32, #tpu.memory_space<hbm>>
    tpu.wait_dma2 semaphore(%arg11 : memref<!tpu.dma_semaphore, #tpu.memory_space<semaphore_mem>>) src(%arg5 : memref<32x1024xf32, #tpu.memory_space<vmem>>) dst(%dma_wait3A_543 : memref<32x1024xf32, #tpu.memory_space<hbm>>)
    %dma_wait3A_544 = arith.constant 1 : i32
    %dma_wait3A_545 = arith.constant 0 : i32
    %dma_wait3A_546 = tpu.memref_slice %arg3[%dma_wait3A_544, %add3A_483, %dma_wait3A_545] : memref<4x8192x1024xf32, #tpu.memory_space<hbm>> -> memref<1x32x1024xf32, #tpu.memory_space<hbm>>
    %dma_wait3A_547 = tpu.memref_squeeze %dma_wait3A_546 : memref<1x32x1024xf32, #tpu.memory_space<hbm>> -> memref<32x1024xf32, #tpu.memory_space<hbm>>
    %dma_wait3A_548 = arith.constant 0 : i32
    %dma_wait3A_549 = tpu.memref_slice %arg3[%dma_wait3A_544, %add3A_483, %dma_wait3A_548] : memref<4x8192x1024xf32, #tpu.memory_space<hbm>> -> memref<1x32x1024xf32, #tpu.memory_space<hbm>>
    %dma_wait3A_550 = tpu.memref_squeeze %dma_wait3A_549 : memref<1x32x1024xf32, #tpu.memory_space<hbm>> -> memref<32x1024xf32, #tpu.memory_space<hbm>>
    tpu.wait_dma2 semaphore(%arg11 : memref<!tpu.dma_semaphore, #tpu.memory_space<semaphore_mem>>) src(%arg5 : memref<32x1024xf32, #tpu.memory_space<vmem>>) dst(%dma_wait3A_550 : memref<32x1024xf32, #tpu.memory_space<hbm>>)
    %dma_wait3A_551 = arith.constant 2 : i32
    %dma_wait3A_552 = arith.constant 0 : i32
    %dma_wait3A_553 = tpu.memref_slice %arg3[%dma_wait3A_551, %add3A_492, %dma_wait3A_552] : memref<4x8192x1024xf32, #tpu.memory_space<hbm>> -> memref<1x32x1024xf32, #tpu.memory_space<hbm>>
    %dma_wait3A_554 = tpu.memref_squeeze %dma_wait3A_553 : memref<1x32x1024xf32, #tpu.memory_space<hbm>> -> memref<32x1024xf32, #tpu.memory_space<hbm>>
    %dma_wait3A_555 = arith.constant 0 : i32
    %dma_wait3A_556 = tpu.memref_slice %arg3[%dma_wait3A_551, %add3A_492, %dma_wait3A_555] : memref<4x8192x1024xf32, #tpu.memory_space<hbm>> -> memref<1x32x1024xf32, #tpu.memory_space<hbm>>
    %dma_wait3A_557 = tpu.memref_squeeze %dma_wait3A_556 : memref<1x32x1024xf32, #tpu.memory_space<hbm>> -> memref<32x1024xf32, #tpu.memory_space<hbm>>
    tpu.wait_dma2 semaphore(%arg11 : memref<!tpu.dma_semaphore, #tpu.memory_space<semaphore_mem>>) src(%arg5 : memref<32x1024xf32, #tpu.memory_space<vmem>>) dst(%dma_wait3A_557 : memref<32x1024xf32, #tpu.memory_space<hbm>>)
    %dma_wait3A_558 = arith.constant 3 : i32
    %dma_wait3A_559 = arith.constant 0 : i32
    %dma_wait3A_560 = tpu.memref_slice %arg3[%dma_wait3A_558, %add3A_501, %dma_wait3A_559] : memref<4x8192x1024xf32, #tpu.memory_space<hbm>> -> memref<1x32x1024xf32, #tpu.memory_space<hbm>>
    %dma_wait3A_561 = tpu.memref_squeeze %dma_wait3A_560 : memref<1x32x1024xf32, #tpu.memory_space<hbm>> -> memref<32x1024xf32, #tpu.memory_space<hbm>>
    %dma_wait3A_562 = arith.constant 0 : i32
    %dma_wait3A_563 = tpu.memref_slice %arg3[%dma_wait3A_558, %add3A_501, %dma_wait3A_562] : memref<4x8192x1024xf32, #tpu.memory_space<hbm>> -> memref<1x32x1024xf32, #tpu.memory_space<hbm>>
    %dma_wait3A_564 = tpu.memref_squeeze %dma_wait3A_563 : memref<1x32x1024xf32, #tpu.memory_space<hbm>> -> memref<32x1024xf32, #tpu.memory_space<hbm>>
    tpu.wait_dma2 semaphore(%arg11 : memref<!tpu.dma_semaphore, #tpu.memory_space<semaphore_mem>>) src(%arg5 : memref<32x1024xf32, #tpu.memory_space<vmem>>) dst(%dma_wait3A_564 : memref<32x1024xf32, #tpu.memory_space<hbm>>)
    %dma_wait3A_565 = arith.constant 0 : i32
    %dma_wait3A_566 = arith.constant 0 : i32
    %dma_wait3A_567 = tpu.memref_slice %arg3[%dma_wait3A_565, %add3A_326, %dma_wait3A_566] : memref<4x8192x1024xf32, #tpu.memory_space<hbm>> -> memref<1x32x1024xf32, #tpu.memory_space<hbm>>
    %dma_wait3A_568 = tpu.memref_squeeze %dma_wait3A_567 : memref<1x32x1024xf32, #tpu.memory_space<hbm>> -> memref<32x1024xf32, #tpu.memory_space<hbm>>
    %dma_wait3A_569 = arith.constant 0 : i32
    %dma_wait3A_570 = tpu.memref_slice %arg3[%dma_wait3A_565, %add3A_326, %dma_wait3A_569] : memref<4x8192x1024xf32, #tpu.memory_space<hbm>> -> memref<1x32x1024xf32, #tpu.memory_space<hbm>>
    %dma_wait3A_571 = tpu.memref_squeeze %dma_wait3A_570 : memref<1x32x1024xf32, #tpu.memory_space<hbm>> -> memref<32x1024xf32, #tpu.memory_space<hbm>>
    tpu.wait_dma2 semaphore(%arg12 : memref<!tpu.dma_semaphore, #tpu.memory_space<semaphore_mem>>) src(%arg6 : memref<32x1024xf32, #tpu.memory_space<vmem>>) dst(%dma_wait3A_571 : memref<32x1024xf32, #tpu.memory_space<hbm>>)
    %dma_wait3A_572 = arith.constant 1 : i32
    %dma_wait3A_573 = arith.constant 0 : i32
    %dma_wait3A_574 = tpu.memref_slice %arg3[%dma_wait3A_572, %add3A_335, %dma_wait3A_573] : memref<4x8192x1024xf32, #tpu.memory_space<hbm>> -> memref<1x32x1024xf32, #tpu.memory_space<hbm>>
    %dma_wait3A_575 = tpu.memref_squeeze %dma_wait3A_574 : memref<1x32x1024xf32, #tpu.memory_space<hbm>> -> memref<32x1024xf32, #tpu.memory_space<hbm>>
    %dma_wait3A_576 = arith.constant 0 : i32
    %dma_wait3A_577 = tpu.memref_slice %arg3[%dma_wait3A_572, %add3A_335, %dma_wait3A_576] : memref<4x8192x1024xf32, #tpu.memory_space<hbm>> -> memref<1x32x1024xf32, #tpu.memory_space<hbm>>
    %dma_wait3A_578 = tpu.memref_squeeze %dma_wait3A_577 : memref<1x32x1024xf32, #tpu.memory_space<hbm>> -> memref<32x1024xf32, #tpu.memory_space<hbm>>
    tpu.wait_dma2 semaphore(%arg12 : memref<!tpu.dma_semaphore, #tpu.memory_space<semaphore_mem>>) src(%arg6 : memref<32x1024xf32, #tpu.memory_space<vmem>>) dst(%dma_wait3A_578 : memref<32x1024xf32, #tpu.memory_space<hbm>>)
    %dma_wait3A_579 = arith.constant 2 : i32
    %dma_wait3A_580 = arith.constant 0 : i32
    %dma_wait3A_581 = tpu.memref_slice %arg3[%dma_wait3A_579, %add3A_344, %dma_wait3A_580] : memref<4x8192x1024xf32, #tpu.memory_space<hbm>> -> memref<1x32x1024xf32, #tpu.memory_space<hbm>>
    %dma_wait3A_582 = tpu.memref_squeeze %dma_wait3A_581 : memref<1x32x1024xf32, #tpu.memory_space<hbm>> -> memref<32x1024xf32, #tpu.memory_space<hbm>>
    %dma_wait3A_583 = arith.constant 0 : i32
    %dma_wait3A_584 = tpu.memref_slice %arg3[%dma_wait3A_579, %add3A_344, %dma_wait3A_583] : memref<4x8192x1024xf32, #tpu.memory_space<hbm>> -> memref<1x32x1024xf32, #tpu.memory_space<hbm>>
    %dma_wait3A_585 = tpu.memref_squeeze %dma_wait3A_584 : memref<1x32x1024xf32, #tpu.memory_space<hbm>> -> memref<32x1024xf32, #tpu.memory_space<hbm>>
    tpu.wait_dma2 semaphore(%arg12 : memref<!tpu.dma_semaphore, #tpu.memory_space<semaphore_mem>>) src(%arg6 : memref<32x1024xf32, #tpu.memory_space<vmem>>) dst(%dma_wait3A_585 : memref<32x1024xf32, #tpu.memory_space<hbm>>)
    %dma_wait3A_586 = arith.constant 3 : i32
    %dma_wait3A_587 = arith.constant 0 : i32
    %dma_wait3A_588 = tpu.memref_slice %arg3[%dma_wait3A_586, %add3A_353, %dma_wait3A_587] : memref<4x8192x1024xf32, #tpu.memory_space<hbm>> -> memref<1x32x1024xf32, #tpu.memory_space<hbm>>
    %dma_wait3A_589 = tpu.memref_squeeze %dma_wait3A_588 : memref<1x32x1024xf32, #tpu.memory_space<hbm>> -> memref<32x1024xf32, #tpu.memory_space<hbm>>
    %dma_wait3A_590 = arith.constant 0 : i32
    %dma_wait3A_591 = tpu.memref_slice %arg3[%dma_wait3A_586, %add3A_353, %dma_wait3A_590] : memref<4x8192x1024xf32, #tpu.memory_space<hbm>> -> memref<1x32x1024xf32, #tpu.memory_space<hbm>>
    %dma_wait3A_592 = tpu.memref_squeeze %dma_wait3A_591 : memref<1x32x1024xf32, #tpu.memory_space<hbm>> -> memref<32x1024xf32, #tpu.memory_space<hbm>>
    tpu.wait_dma2 semaphore(%arg12 : memref<!tpu.dma_semaphore, #tpu.memory_space<semaphore_mem>>) src(%arg6 : memref<32x1024xf32, #tpu.memory_space<vmem>>) dst(%dma_wait3A_592 : memref<32x1024xf32, #tpu.memory_space<hbm>>)
    return
  }
}

</mosaic_0001>

<sc_bundles>
// kernel: kernel.3.cloned.1.call-start
scs
__scs_entry_jumppad:
0x0: {  	(pc) =	sbr.rel $0x88, $3  }
0x1: {  	(tag) =	ssettag $0x0;
	lr =	simm.s32 $0x1  }
0x2: {  	[smem:$0x3FA0] =	sst lr;
	_ =	strace $0xD0000000  }
0x3: {  	_ = 	snop  }
0x4: {  	_ = 	snop  }
0x5: {  	_ = 	snop  }
0x6: {  	_ = 	snop  }
0x7: {  	_ = 	snop  }
__scs_overlays_trampoline_lowered:
0x8: {  	[smem:$0x3FAF] =	sst s0  }
0x9: {  	[smem:$0x3FB0] =	sst s1  }
0xa: {  	[smem:$0x3FB1] =	sst s2  }
0xb: {  	[smem:$0x3FB2] =	sst s3  }
0xc: {  	[smem:$0x3FB3] =	sst s4  }
0xd: {  	[smem:$0x3FB4] =	sst s5  }
0xe: {  	[smem:$0x3FB5] =	sst s6  }
0xf: {  	[smem:$0x3FB6] =	sst s7  }
0x10: {  	[smem:$0x3FB7] =	sst s8  }
0x11: {  	[smem:$0x3FB8] =	sst s9;
	s0 =	simm.s32 @!p0 $0x0  }
0x12: {  	s1 =	sld [smem:$0x3F9E];
	s0 =	simm.s32 @p0 $0x1  }
0x13: {  	[smem:$0x3FB9] =	sst s0;
	s0 =	simm.s32 @!p1 $0x0  }
0x14: {  	s2 =	sld [smem:$0x3F9D];
	s0 =	simm.s32 @p1 $0x1  }
0x15: {  	[smem:$0x3FBA] =	sst s0;
	s0 =	simm.s32 @!p2 $0x0  }
0x16: {  	s3 =	sld [smem:$0x3FDB];
	s0 =	simm.s32 @p2 $0x1  }
0x17: {  	s4 =	simm.s32 $0x1BF5;
	[smem:$0x3FBC] =	sst s0  }
0x18: {  	s0 =	sld [smem:$0x3F9F];
	_ =	swait.ge [sflag:s4], $0x0  }
0x19: {  	s7 =	sld [smem:$0x3FA0]  }
0x1a: {  	s8 =	sadd.s32 $0xFFFFE003, lr  }
0x1b: {  	s9 =	sadd.s32 $0xFFFFFEF7, lr;
	s5 =	simm.s32 $0xFFFFFFFF;
	p2 =	slt.u32 s8, $0xFFFFF086  }
0x1c: {  	p1 =	slt.u32 s9, $0xF7A;
	s5 =	simm.s32 @!p2 $0x0  }
0x1d: {  	s5 =	simm.s32 @p1 $0x1;
	p0 =	seq.s32 s7, s2  }
0x1e: {  	s7 =	smul.u32 @!p0 $0xF7A, s2;
	p2 =	seq.s32 @!p0 s5, $0x0  }
0x1f: {  	s9 =	smul.u32 $0xF7A, s1;
	s8 =	simm.s32 @!p0 $0x1BF5;
	p2 =	por !p2, p0  }
0x20: {  	[sflag:s8] =	ssyncset.s32 @!p0 $0xFFFFF086;
	s6 =	sadd.s32 @!p0 s3, s7;
	s7 =	simm.s32 @!p0 $0x108  }
0x21: {  	s3 =	sadd.s32 s3, s9;
	s6 =	sadd.s32 @!p0 $0x88, s6;
	s7 =	simm.s32 @p2 $0x1082  }
0x22: {  	[simem:s7], [sflag:s8] =	dma.local @!p0 [hbm:s6], $0xF7A  }
0x23: {  	s9 =	sor.u32 $0xD0000000, s2;
	s6 =	simm.s32 $0x108;
	_ =	swait.ge @!p0 [sflag:s8], $0x0  }
0x24: {  	s3 =	sadd.s32 $0x88, s3;
	s6 =	simm.s32 @!p1 $0x1082;
	[sflag:s4] =	ssyncset.s32 $0xFFFFF086  }
0x25: {  	[simem:s6], [sflag:s4] =	dma.local [hbm:s3], $0xF7A  }
0x26: {  	[smem:$0x3FA0] =	sst s1;
	(tag) =	ssettag s2;
	_ =	strace s9  }
0x27: {  	s1 =	sld [smem:$0x3FB0]  }
0x28: {  	s2 =	sld [smem:$0x3FB1]  }
0x29: {  	s4 =	sld [smem:$0x3FB3]  }
0x2a: {  	p0 =	seq.s32 s5, $0x0;
	s5 =	sld [smem:$0x3FB4]  }
0x2b: {  	s6 =	sld [smem:$0x3FB5]  }
0x2c: {  	s7 =	sld [smem:$0x3FB6]  }
0x2d: {  	s3 =	simm.s32 $0x108;
	s8 =	sld [smem:$0x3FB7]  }
0x2e: {  	s3 =	simm.s32 @!p0 $0x1082;
	s9 =	sld [smem:$0x3FB8]  }
0x2f: {  	lr =	sadd.s32 s0, s3;
	s0 =	sld [smem:$0x3FAF]  }
0x30: {  	s3 =	sld [smem:$0x3FB2]  }
0x31: {  	[smem:$0x3FBB] =	sst s10  }
0x32: {  	s10 =	sld [smem:$0x3FB9];
	_ =	sdelay $0x3  }
0x33: {  	p0 =	seq.s32 s10, $0x1;
	s10 =	sld [smem:$0x3FBB];
	_ =	sdelay $0x3  }
0x34: {  	[smem:$0x3FBB] =	sst s10  }
0x35: {  	s10 =	sld [smem:$0x3FBA];
	_ =	sdelay $0x3  }
0x36: {  	p1 =	seq.s32 s10, $0x1;
	s10 =	sld [smem:$0x3FBB];
	_ =	sdelay $0x3  }
0x37: {  	[smem:$0x3FBB] =	sst s10  }
0x38: {  	s10 =	sld [smem:$0x3FBC]  }
0x39: {  	_ = 	snop;
	(pc) =	sbr.ind lr, $3  }
0x3a: {  	_ = 	snop  }
0x3b: {  	_ = 	snop  }
0x3c: {  	p2 =	seq.s32 s10, $0x1;
	s10 =	sld [smem:$0x3FBB]  }
0x3d: {  	_ =	shalt  }
0x3e: {  	_ =	shalt  }
0x3f: {  	_ =	shalt  }
0x40: {  	_ =	shalt  }
0x41: {  	_ =	shalt  }
0x42: {  	_ =	shalt  }
0x43: {  	_ =	shalt  }
0x44: {  	_ =	shalt  }
0x45: {  	_ =	shalt  }
0x46: {  	_ =	shalt  }
0x47: {  	_ =	shalt  }
0x48: {  	_ =	shalt  }
0x49: {  	_ =	shalt  }
0x4a: {  	_ =	shalt  }
0x4b: {  	_ =	shalt  }
0x4c: {  	_ =	shalt  }
0x4d: {  	_ =	shalt  }
0x4e: {  	_ =	shalt  }
0x4f: {  	_ =	shalt  }
0x50: {  	_ =	shalt  }
0x51: {  	_ =	shalt  }
0x52: {  	_ =	shalt  }
0x53: {  	_ =	shalt  }
0x54: {  	_ =	shalt  }
0x55: {  	_ =	shalt  }
0x56: {  	_ =	shalt  }
0x57: {  	_ =	shalt  }
0x58: {  	_ =	shalt  }
0x59: {  	_ =	shalt  }
0x5a: {  	_ =	shalt  }
0x5b: {  	_ =	shalt  }
0x5c: {  	_ =	shalt  }
0x5d: {  	_ =	shalt  }
0x5e: {  	_ =	shalt  }
0x5f: {  	_ =	shalt  }
0x60: {  	_ =	shalt  }
0x61: {  	_ =	shalt  }
0x62: {  	_ =	shalt  }
0x63: {  	_ =	shalt  }
0x64: {  	_ =	shalt  }
0x65: {  	_ =	shalt  }
0x66: {  	_ =	shalt  }
0x67: {  	_ =	shalt  }
0x68: {  	_ =	shalt  }
0x69: {  	_ =	shalt  }
0x6a: {  	_ =	shalt  }
0x6b: {  	_ =	shalt  }
0x6c: {  	_ =	shalt  }
0x6d: {  	_ =	shalt  }
0x6e: {  	_ =	shalt  }
0x6f: {  	_ =	shalt  }
0x70: {  	_ =	shalt  }
0x71: {  	_ =	shalt  }
0x72: {  	_ =	shalt  }
0x73: {  	_ =	shalt  }
0x74: {  	_ =	shalt  }
0x75: {  	_ =	shalt  }
0x76: {  	_ =	shalt  }
0x77: {  	_ =	shalt  }
0x78: {  	_ =	shalt  }
0x79: {  	_ =	shalt  }
0x7a: {  	_ =	shalt  }
0x7b: {  	_ =	shalt  }
0x7c: {  	_ =	shalt  }
0x7d: {  	_ =	shalt  }
0x7e: {  	_ =	shalt  }
0x7f: {  	_ =	shalt  }
0x80: {  	_ =	shalt  }
0x81: {  	_ =	shalt  }
0x82: {  	_ =	shalt  }
0x83: {  	_ =	shalt  }
0x84: {  	_ =	shalt  }
0x85: {  	_ =	shalt  }
0x86: {  	_ =	shalt  }
0x87: {  	_ =	shalt  }
.Lfunc_end0:
.L_simem_size_0:
called_computation_lowered:
.L_overlay_start_0:
0x88: {  	s2 =	sld [smem:$0x3FD9]  }
0x89: {  	s3 =	sld [smem:$0x3FFE];
	_ =	sdelay $0x1  }
0x8a: {  	s1 =	srdreg.scid  }
0x8b: {  	s0 =	sand.u32 $0x1, s1  }
0x8c: {  	s18 =	sshll.u32 s0, $0xA;
	s2 =	sadd.s32 s3, s2  }
0x8d: {  	s2 =	sadd.s32 s2, s18  }
0x8e: {  	[smem:$0x3FC7] =	sst s2  }
0x8f: {  	_ = 	snop  }
0x90: {  	s2 =	sld [smem:$0x3FC9]  }
0x91: {  	s19 =	sld [smem:$0x3FD0];
	(tm) =	ssettm $0x1  }
0x92: {  	s4 =	sld [smem:$0x3FFB];
	_ =	sdelay $0x3  }
0x93: {  	_ =	strace s4  }
0x94: {  	s4 =	sld [smem:$0x3FFC];
	_ =	sdelay $0x3  }
0x95: {  	_ =	strace s4  }
0x96: {  	s4 =	sld [smem:$0x3FFD];
	_ =	sdelay $0x3  }
0x97: {  	_ =	strace s4  }
0x98: {  	_ =	strace $0x8FFFFFFF  }
0x99: {  	s20 =	sld [smem:$0x3FDB];
	_ =	sdelay $0x1  }
0x9a: {  	s5 =	simm.s32 $_scs_section_size  }
0x9b: {  	s6 =	simm.s32 $_size__tile_overlayer_lowered;
	s7 =	simm.s32 $_tile_overlayer_lowered  }
0x9c: {  	s23 =	simm.s32 $0x1BFF;
	s22 =	sshll.u32 s7, $0x1;
	s4 =	sadd.s32 s5, s20  }
0x9d: {  	s8 =	simm.s32 $0x0;
	s21 =	sshll.u32 s6, $0x1;
	s6 =	sadd.s32 s22, s4  }
0x9e: {  	[timem:s8], [sflag:s23] =	dma.local [hbm:s6], s21  }
0x9f: {  	_ =	swait.ge [sflag:s23], s21  }
0xa0: {  	s5 =	ssub.s32 $0x0, s21;
	[sflag:s23] =	ssyncset.done $0x0  }
0xa1: {  	[sflag:s23] =	ssyncadd.s32 s5;
	_ =	sdelay $0x1  }
0xa2: {  	s24 =	simm.s32 $0x1B8B  }
0xa3: {  	_ =	swait.ge [sflag:s24], $0x1  }
0xa4: {  	[sflag:s24] =	ssyncset.done $0x0  }
0xa5: {  	s25 =	simm.s32 $0x1B8E;
	[sflag:s24] =	ssyncadd.s32 $0xFFFFFFFF  }
0xa6: {  	s26 =	simm.s32 $execute0_lowered;
	[smem:$0x3FD2] =	sst s25  }
0xa7: {  	s5 =	sshll.u32 s26, $0x1;
	_ =	strace $0x80000046;
	[dreg:$0x1] =	wrdreg $0xFFFFFFFF  }
0xa8: {  	s28 =	simm.s32 $_size_execute0_lowered;
	s4 =	sadd.s32 s4, s5;
	[dreg:$0x0] =	wrdreg $0x0  }
0xa9: {  	s5 =	sshll.u32 s28, $0x1;
	[dreg:$0x2] =	wrdreg s4  }
0xaa: {  	[dreg:$0x3] =	wrdreg s5  }
0xab: {  	[dreg:$0x4] =	wrdreg $0xC0  }
0xac: {  	_ =	task [dreg:s8], $0x5FFFF  }
0xad: {  	[dreg:$0x1] =	wrdreg $0xFFFFFFFF  }
0xae: {  	[dreg:$0x0] =	wrdreg $0x60  }
0xaf: {  	[dreg:$0x2] =	wrdreg s2  }
0xb0: {  	[dreg:$0x3] =	wrdreg s19  }
0xb1: {  	[dreg:$0x4] =	wrdreg $0x9  }
0xb2: {  	_ =	task.clear_ibuf [dreg:s8], $0x5FFFF;
	_ =	strace $0x90000046  }
0xb3: {  	s29 =	simm.s32 $0x9;
	_ =	strace $0x80000048  }
0xb4: {  	_ =	swait.ge [sflag:s29], $0x1  }
0xb5: {  	[sflag:s29] =	ssyncadd.s32 $0xFFFFFFFF  }
0xb6: {  	_ =	strace $0x90000048  }
0xb7: {  	_ =	sfence  }
0xb8: {  	s30 =	sld [smem:$0x0];
	_ =	sdelay $0x2  }
0xb9: {  	s31 =	sshll.u32 s1, $0xD;
	s1 =	sshrl.u32 s1, $0x2  }
0xba: {  	s3 =	sand.u32 $0x4000, s31;
	s1 =	sadd.s32 s1, s30  }
0xbb: {  	s0 =	sor.u32 s3, s0;
	s1 =	sshll.u32 s1, $0x11  }
0xbc: {  	s0 =	sor.u32 s1, s0  }
0xbd: {  	s0 =	sadd.s32 $0x8F2B, s0  }
0xbe: {  	[sflag:s0] =	ssyncadd.remote.s32 $0x1  }
0xbf: {  	_ =	sfence.sel $0xFFFF  }
0xc0: {  	[dreg:$0x0] =	wrdreg $0xFFFFFFFF;
	(pc) =	sbr.abs _section_cstart, $3  }
0xc1: {  	[dreg:$0x1] =	wrdreg $0xFFFFFFFF  }
0xc2: {  	_ =	task.clear_ibuf [dreg:s8], $0x2FFFF;
	_ =	strace $0x9FFFFFFF  }
0xc3: {  	(tm) =	ssettm $0x7FFFFFFF  }
tec
execute0_lowered:
.L_overlay_start_1:
0x0: {  	(tag) =	ssettag $0x1  }
0x1: {  	s1 =	srdreg.scid  }
0x2: {  	s4 =	stileid.u32;
	s1 =	sand.u32 $0x1, s1  }
0x3: {  	s0 =	rddreg [dreg:$0x0];
	s4 =	sshll.u32 s4, $0x10;
	s5 =	sshll.u32 s1, $0xF  }
0x4: {  	s3 =	rddreg [dreg:$0x1];
	s2 =	simm.s32 $0x0;
	s4 =	sor.u32 s5, s4  }
0x5: {  	[smem:$0x7FF] =	sst s2;
	s5 =	sadd.s32 s0, s4;
	s31 =	sadd.s32 s3, s4  }
0x6: {  	_ =	strace $0x80000047;
	[dreg:$0x3] =	wrdreg s5;
	s8 =	sadd.s32 $0x100000, s31  }
0x7: {  	s9 =	sadd.s32 $0x200000, s31;
	[dreg:$0x4] =	wrdreg s8  }
0x8: {  	s6 =	sor.u32 $0x1000, s4;
	s10 =	sadd.s32 $0x300000, s31;
	[dreg:$0x5] =	wrdreg s9  }
0x9: {  	s11 =	sadd.s32 s0, s6;
	[dreg:$0x6] =	wrdreg s10  }
0xa: {  	s12 =	sadd.s32 s3, s6;
	[dreg:$0x7] =	wrdreg s11  }
0xb: {  	s13 =	sadd.s32 $0x101000, s31;
	[dreg:$0x8] =	wrdreg s12  }
0xc: {  	p0 =	por $0x0, $0x0;
	s14 =	sadd.s32 $0x201000, s31;
	[dreg:$0x9] =	wrdreg s13  }
0xd: {  	s16 =	sor.u32 $0x2000, s4;
	s15 =	sadd.s32 $0x301000, s31;
	[dreg:$0xa] =	wrdreg s14  }
0xe: {  	s29 =	simm.s32 $0x10000;
	s17 =	sadd.s32 s0, s16;
	[dreg:$0xb] =	wrdreg s15  }
0xf: {  	s30 =	simm.s32 $0x3;
	s18 =	sadd.s32 s3, s16;
	[dreg:$0xc] =	wrdreg s17  }
0x10: {  	s1 =	ssub.s32 $0x2, s1;
	s19 =	sadd.s32 $0x102000, s31;
	[dreg:$0xd] =	wrdreg s18  }
0x11: {  	s26 =	sshrl.u32 s1, $0x1;
	s20 =	sadd.s32 $0x202000, s31;
	[dreg:$0xe] =	wrdreg s19  }
0x12: {  	s22 =	sor.u32 $0x3000, s4;
	s21 =	sadd.s32 $0x302000, s31;
	[dreg:$0xf] =	wrdreg s20  }
0x13: {  	s1 =	ssub.s32 s1, s26;
	s23 =	sadd.s32 s0, s22;
	[dreg:$0x10] =	wrdreg s21  }
0x14: {  	s24 =	sadd.s32 s3, s22;
	s25 =	sadd.s32 $0x103000, s31;
	[dreg:$0x11] =	wrdreg s23  }
0x15: {  	s7 =	sadd.s32 $0x203000, s31;
	s26 =	sadd.s32 $0x204000, s31;
	[dreg:$0x12] =	wrdreg s24  }
0x16: {  	s28 =	sadd.s32 $0x304000, s31;
	s22 =	sadd.s32 $0x305000, s31;
	[dreg:$0x13] =	wrdreg s25  }
0x17: {  	s16 =	sadd.s32 $0x306000, s31;
	s5 =	simm.s32 $0x4;
	[dreg:$0x14] =	wrdreg s7  }
0x18: {  	s8 =	sadd.s32 $0x303000, s31;
	s7 =	sor.u32 $0x4000, s4;
	s25 =	sadd.s32 $0x104000, s31  }
0x19: {  	s10 =	sor.u32 $0x5000, s4;
	s20 =	sadd.s32 $0x105000, s31;
	s21 =	sadd.s32 $0x205000, s31  }
0x1a: {  	s11 =	sor.u32 $0x6000, s4;
	s14 =	sadd.s32 $0x106000, s31;
	s15 =	sadd.s32 $0x206000, s31  }
0x1b: {  	s4 =	sor.u32 $0x7000, s4;
	s12 =	smax.u32 s1, $0x1;
	s1 =	rddreg [dreg:$0x3]  }
0x1c: {  	s18 =	simm.s32 $0x1;
	[dreg:$0x15] =	wrdreg s8;
	s9 =	sadd.s32 s0, s7  }
0x1d: {  	s24 =	sadd.s32 s3, s7;
	s23 =	sadd.s32 s0, s10;
	p1 =	sne.s32 s12, $0x1  }
.Ltmp0:
0x1e: {  	s19 =	sadd.s32 s3, s10;
	s17 =	sadd.s32 s0, s11;
	(pc) =	sbr.rel @!p1 .LBB2_3-.Ltmp0, $4  }
0x1f: {  	s13 =	sadd.s32 s3, s11;
	s10 =	sadd.s32 s0, s4;
	s6 =	sadd.s32 s3, s4  }
0x20: {  	s7 =	sadd.s32 $0x107000, s31;
	s8 =	sadd.s32 $0x207000, s31;
	s11 =	simm.s32 $0x8000  }
0x21: {  	s0 =	sadd.s32 $0xFFFFFFFF, s12;
	s12 =	simm.s32 $0x2;
	s4 =	simm.s32 $0x5  }
0x22: {  	s3 =	simm.s32 $0x6;
	[dreg:$0x16] =	wrdreg s9;
	s9 =	sadd.s32 $0x307000, s31  }
0x23: {  	[tilespmem:s2], [sflag:$0x1] =	stream.linear.gather [hbm4b:s1+s2], $0x8000, $0x38;
	[tilespmem:$0x18000] =	vst v63  }
0x24: {  	_ =	swait.ge [sflag:s18], $0x8000  }
0x25: {  	[sflag:s18] =	ssyncset.done $0x0  }
0x26: {  	[dreg:$0x17] =	wrdreg s0;
	[sflag:s18] =	ssyncadd.s32 $0xFFFF8000  }
0x27: {  	[hbm4b:s31+s2] =	stream.linear.scatter [tilespmem:s2], [sflag:$0x4], $0x8000, $0x38;
	[tilespmem:$0x18000] =	vst v63  }
0x28: {  	s1 =	rddreg [dreg:$0x4]  }
0x29: {  	[hbm4b:s1+s2] =	stream.linear.scatter [tilespmem:s2], [sflag:$0x4], $0x8000, $0x38;
	[tilespmem:$0x18000] =	vst v63  }
0x2a: {  	s0 =	rddreg [dreg:$0x5]  }
0x2b: {  	[hbm4b:s0+s2] =	stream.linear.scatter [tilespmem:s2], [sflag:$0x4], $0x8000, $0x38;
	[tilespmem:$0x18000] =	vst v63  }
0x2c: {  	s1 =	rddreg [dreg:$0x6]  }
0x2d: {  	[hbm4b:s1+s2] =	stream.linear.scatter [tilespmem:s2], [sflag:$0x4], $0x8000, $0x38;
	[tilespmem:$0x18000] =	vst v63  }
0x2e: {  	s0 =	rddreg [dreg:$0x7]  }
0x2f: {  	[tilespmem:s11], [sflag:$0x2] =	stream.linear.gather [hbm4b:s0+s2], $0x8000, $0x38;
	[tilespmem:$0x18000] =	vst v63  }
0x30: {  	_ =	swait.ge [sflag:s12], $0x8000  }
0x31: {  	[sflag:s12] =	ssyncset.done $0x0  }
0x32: {  	s0 =	rddreg [dreg:$0x8];
	[sflag:s12] =	ssyncadd.s32 $0xFFFF8000  }
0x33: {  	[hbm4b:s0+s2] =	stream.linear.scatter [tilespmem:s11], [sflag:$0x5], $0x8000, $0x38;
	[tilespmem:$0x18000] =	vst v63  }
0x34: {  	s1 =	rddreg [dreg:$0x9]  }
0x35: {  	[hbm4b:s1+s2] =	stream.linear.scatter [tilespmem:s11], [sflag:$0x5], $0x8000, $0x38;
	[tilespmem:$0x18000] =	vst v63  }
0x36: {  	s0 =	rddreg [dreg:$0xa]  }
0x37: {  	[hbm4b:s0+s2] =	stream.linear.scatter [tilespmem:s11], [sflag:$0x5], $0x8000, $0x38;
	[tilespmem:$0x18000] =	vst v63  }
0x38: {  	s1 =	rddreg [dreg:$0xb]  }
0x39: {  	[hbm4b:s1+s2] =	stream.linear.scatter [tilespmem:s11], [sflag:$0x5], $0x8000, $0x38;
	[tilespmem:$0x18000] =	vst v63  }
0x3a: {  	s0 =	rddreg [dreg:$0xc]  }
0x3b: {  	[tilespmem:s29], [sflag:$0x3] =	stream.linear.gather [hbm4b:s0+s2], $0x8000, $0x38;
	[tilespmem:$0x18000] =	vst v63  }
0x3c: {  	_ =	swait.ge [sflag:s30], $0x8000  }
0x3d: {  	[sflag:s30] =	ssyncset.done $0x0  }
0x3e: {  	s0 =	rddreg [dreg:$0xd];
	[sflag:s30] =	ssyncadd.s32 $0xFFFF8000  }
0x3f: {  	[hbm4b:s0+s2] =	stream.linear.scatter [tilespmem:s29], [sflag:$0x6], $0x8000, $0x38;
	[tilespmem:$0x18000] =	vst v63  }
0x40: {  	s1 =	rddreg [dreg:$0xe]  }
0x41: {  	[hbm4b:s1+s2] =	stream.linear.scatter [tilespmem:s29], [sflag:$0x6], $0x8000, $0x38;
	[tilespmem:$0x18000] =	vst v63  }
0x42: {  	s0 =	rddreg [dreg:$0xf]  }
0x43: {  	[hbm4b:s0+s2] =	stream.linear.scatter [tilespmem:s29], [sflag:$0x6], $0x8000, $0x38;
	[tilespmem:$0x18000] =	vst v63  }
0x44: {  	s1 =	rddreg [dreg:$0x10]  }
0x45: {  	[hbm4b:s1+s2] =	stream.linear.scatter [tilespmem:s29], [sflag:$0x6], $0x8000, $0x38;
	[tilespmem:$0x18000] =	vst v63  }
0x46: {  	_ =	swait.ge [sflag:s5], $0x8000  }
0x47: {  	[sflag:s5] =	ssyncset.done $0x0  }
0x48: {  	[sflag:s5] =	ssyncadd.s32 $0xFFFF8000  }
0x49: {  	_ =	swait.ge [sflag:s5], $0x8000  }
0x4a: {  	[sflag:s5] =	ssyncset.done $0x0  }
0x4b: {  	[sflag:s5] =	ssyncadd.s32 $0xFFFF8000  }
0x4c: {  	_ =	swait.ge [sflag:s5], $0x8000  }
0x4d: {  	[sflag:s5] =	ssyncset.done $0x0  }
0x4e: {  	[sflag:s5] =	ssyncadd.s32 $0xFFFF8000  }
0x4f: {  	_ =	swait.ge [sflag:s5], $0x8000  }
0x50: {  	[sflag:s5] =	ssyncset.done $0x0  }
0x51: {  	s1 =	rddreg [dreg:$0x11];
	[sflag:s5] =	ssyncadd.s32 $0xFFFF8000  }
0x52: {  	[tilespmem:s2], [sflag:$0x1] =	stream.linear.gather [hbm4b:s1+s2], $0x8000, $0x38;
	[tilespmem:$0x18000] =	vst v63  }
0x53: {  	_ =	swait.ge [sflag:s18], $0x8000  }
0x54: {  	[sflag:s18] =	ssyncset.done $0x0  }
0x55: {  	s0 =	rddreg [dreg:$0x12];
	[sflag:s18] =	ssyncadd.s32 $0xFFFF8000  }
0x56: {  	[hbm4b:s0+s2] =	stream.linear.scatter [tilespmem:s2], [sflag:$0x4], $0x8000, $0x38;
	[tilespmem:$0x18000] =	vst v63  }
0x57: {  	s1 =	rddreg [dreg:$0x13]  }
0x58: {  	[hbm4b:s1+s2] =	stream.linear.scatter [tilespmem:s2], [sflag:$0x4], $0x8000, $0x38;
	[tilespmem:$0x18000] =	vst v63  }
0x59: {  	s0 =	rddreg [dreg:$0x14]  }
0x5a: {  	[hbm4b:s0+s2] =	stream.linear.scatter [tilespmem:s2], [sflag:$0x4], $0x8000, $0x38;
	[tilespmem:$0x18000] =	vst v63  }
0x5b: {  	s1 =	rddreg [dreg:$0x15]  }
0x5c: {  	[hbm4b:s1+s2] =	stream.linear.scatter [tilespmem:s2], [sflag:$0x4], $0x8000, $0x38;
	[tilespmem:$0x18000] =	vst v63  }
0x5d: {  	_ =	swait.ge [sflag:s4], $0x8000  }
0x5e: {  	[sflag:s4] =	ssyncset.done $0x0  }
0x5f: {  	[sflag:s4] =	ssyncadd.s32 $0xFFFF8000  }
0x60: {  	_ =	swait.ge [sflag:s4], $0x8000  }
0x61: {  	[sflag:s4] =	ssyncset.done $0x0  }
0x62: {  	[sflag:s4] =	ssyncadd.s32 $0xFFFF8000  }
0x63: {  	_ =	swait.ge [sflag:s4], $0x8000  }
0x64: {  	[sflag:s4] =	ssyncset.done $0x0  }
0x65: {  	[sflag:s4] =	ssyncadd.s32 $0xFFFF8000  }
0x66: {  	_ =	swait.ge [sflag:s4], $0x8000  }
0x67: {  	[sflag:s4] =	ssyncset.done $0x0  }
0x68: {  	s1 =	rddreg [dreg:$0x16];
	[sflag:s4] =	ssyncadd.s32 $0xFFFF8000  }
0x69: {  	[tilespmem:s11], [sflag:$0x2] =	stream.linear.gather [hbm4b:s1+s2], $0x8000, $0x38;
	[tilespmem:$0x18000] =	vst v63  }
0x6a: {  	_ =	swait.ge [sflag:s12], $0x8000  }
0x6b: {  	[sflag:s12] =	ssyncset.done $0x0  }
0x6c: {  	[sflag:s12] =	ssyncadd.s32 $0xFFFF8000  }
0x6d: {  	[hbm4b:s24+s2] =	stream.linear.scatter [tilespmem:s11], [sflag:$0x5], $0x8000, $0x38;
	[tilespmem:$0x18000] =	vst v63  }
0x6e: {  	_ = 	snop  }
0x6f: {  	[hbm4b:s25+s2] =	stream.linear.scatter [tilespmem:s11], [sflag:$0x5], $0x8000, $0x38;
	[tilespmem:$0x18000] =	vst v63  }
0x70: {  	_ = 	snop  }
0x71: {  	[hbm4b:s26+s2] =	stream.linear.scatter [tilespmem:s11], [sflag:$0x5], $0x8000, $0x38;
	[tilespmem:$0x18000] =	vst v63  }
0x72: {  	_ = 	snop  }
0x73: {  	[hbm4b:s28+s2] =	stream.linear.scatter [tilespmem:s11], [sflag:$0x5], $0x8000, $0x38;
	[tilespmem:$0x18000] =	vst v63  }
0x74: {  	_ =	swait.ge [sflag:s3], $0x8000  }
0x75: {  	[sflag:s3] =	ssyncset.done $0x0  }
0x76: {  	[sflag:s3] =	ssyncadd.s32 $0xFFFF8000  }
0x77: {  	_ =	swait.ge [sflag:s3], $0x8000  }
0x78: {  	[sflag:s3] =	ssyncset.done $0x0  }
0x79: {  	[sflag:s3] =	ssyncadd.s32 $0xFFFF8000  }
0x7a: {  	_ =	swait.ge [sflag:s3], $0x8000  }
0x7b: {  	[sflag:s3] =	ssyncset.done $0x0  }
0x7c: {  	[sflag:s3] =	ssyncadd.s32 $0xFFFF8000  }
0x7d: {  	_ =	swait.ge [sflag:s3], $0x8000  }
0x7e: {  	[sflag:s3] =	ssyncset.done $0x0  }
0x7f: {  	[sflag:s3] =	ssyncadd.s32 $0xFFFF8000  }
0x80: {  	[tilespmem:s29], [sflag:$0x3] =	stream.linear.gather [hbm4b:s23+s2], $0x8000, $0x38;
	[tilespmem:$0x18000] =	vst v63  }
0x81: {  	_ =	swait.ge [sflag:s30], $0x8000  }
0x82: {  	[sflag:s30] =	ssyncset.done $0x0  }
0x83: {  	[sflag:s30] =	ssyncadd.s32 $0xFFFF8000  }
0x84: {  	[hbm4b:s19+s2] =	stream.linear.scatter [tilespmem:s29], [sflag:$0x6], $0x8000, $0x38;
	[tilespmem:$0x18000] =	vst v63  }
0x85: {  	_ = 	snop  }
0x86: {  	[hbm4b:s20+s2] =	stream.linear.scatter [tilespmem:s29], [sflag:$0x6], $0x8000, $0x38;
	[tilespmem:$0x18000] =	vst v63  }
0x87: {  	_ = 	snop  }
0x88: {  	[hbm4b:s21+s2] =	stream.linear.scatter [tilespmem:s29], [sflag:$0x6], $0x8000, $0x38;
	[tilespmem:$0x18000] =	vst v63  }
0x89: {  	_ = 	snop  }
0x8a: {  	[hbm4b:s22+s2] =	stream.linear.scatter [tilespmem:s29], [sflag:$0x6], $0x8000, $0x38;
	[tilespmem:$0x18000] =	vst v63  }
0x8b: {  	_ =	swait.ge [sflag:s5], $0x8000  }
0x8c: {  	[sflag:s5] =	ssyncset.done $0x0  }
0x8d: {  	[sflag:s5] =	ssyncadd.s32 $0xFFFF8000  }
0x8e: {  	_ =	swait.ge [sflag:s5], $0x8000  }
0x8f: {  	[sflag:s5] =	ssyncset.done $0x0  }
0x90: {  	[sflag:s5] =	ssyncadd.s32 $0xFFFF8000  }
0x91: {  	_ =	swait.ge [sflag:s5], $0x8000  }
0x92: {  	[sflag:s5] =	ssyncset.done $0x0  }
0x93: {  	[sflag:s5] =	ssyncadd.s32 $0xFFFF8000  }
0x94: {  	_ =	swait.ge [sflag:s5], $0x8000  }
0x95: {  	[sflag:s5] =	ssyncset.done $0x0  }
0x96: {  	[sflag:s5] =	ssyncadd.s32 $0xFFFF8000  }
0x97: {  	[tilespmem:s2], [sflag:$0x1] =	stream.linear.gather [hbm4b:s17+s2], $0x8000, $0x38;
	[tilespmem:$0x18000] =	vst v63  }
0x98: {  	_ =	swait.ge [sflag:s18], $0x8000  }
0x99: {  	[sflag:s18] =	ssyncset.done $0x0  }
0x9a: {  	[sflag:s18] =	ssyncadd.s32 $0xFFFF8000  }
0x9b: {  	[hbm4b:s13+s2] =	stream.linear.scatter [tilespmem:s2], [sflag:$0x4], $0x8000, $0x38;
	[tilespmem:$0x18000] =	vst v63  }
0x9c: {  	_ = 	snop  }
0x9d: {  	[hbm4b:s14+s2] =	stream.linear.scatter [tilespmem:s2], [sflag:$0x4], $0x8000, $0x38;
	[tilespmem:$0x18000] =	vst v63  }
0x9e: {  	_ = 	snop  }
0x9f: {  	[hbm4b:s15+s2] =	stream.linear.scatter [tilespmem:s2], [sflag:$0x4], $0x8000, $0x38;
	[tilespmem:$0x18000] =	vst v63  }
0xa0: {  	_ = 	snop  }
0xa1: {  	[hbm4b:s16+s2] =	stream.linear.scatter [tilespmem:s2], [sflag:$0x4], $0x8000, $0x38;
	[tilespmem:$0x18000] =	vst v63  }
0xa2: {  	_ =	swait.ge [sflag:s4], $0x8000  }
0xa3: {  	[sflag:s4] =	ssyncset.done $0x0  }
0xa4: {  	[sflag:s4] =	ssyncadd.s32 $0xFFFF8000  }
0xa5: {  	_ =	swait.ge [sflag:s4], $0x8000  }
0xa6: {  	[sflag:s4] =	ssyncset.done $0x0  }
0xa7: {  	[sflag:s4] =	ssyncadd.s32 $0xFFFF8000  }
0xa8: {  	_ =	swait.ge [sflag:s4], $0x8000  }
0xa9: {  	[sflag:s4] =	ssyncset.done $0x0  }
0xaa: {  	[sflag:s4] =	ssyncadd.s32 $0xFFFF8000  }
0xab: {  	_ =	swait.ge [sflag:s4], $0x8000  }
0xac: {  	[sflag:s4] =	ssyncset.done $0x0  }
0xad: {  	[sflag:s4] =	ssyncadd.s32 $0xFFFF8000  }
0xae: {  	[tilespmem:s11], [sflag:$0x2] =	stream.linear.gather [hbm4b:s10+s2], $0x8000, $0x38;
	[tilespmem:$0x18000] =	vst v63  }
0xaf: {  	_ =	swait.ge [sflag:s12], $0x8000  }
0xb0: {  	[sflag:s12] =	ssyncset.done $0x0  }
0xb1: {  	[sflag:s12] =	ssyncadd.s32 $0xFFFF8000  }
0xb2: {  	[hbm4b:s6+s2] =	stream.linear.scatter [tilespmem:s11], [sflag:$0x5], $0x8000, $0x38;
	[tilespmem:$0x18000] =	vst v63  }
0xb3: {  	_ = 	snop  }
0xb4: {  	[hbm4b:s7+s2] =	stream.linear.scatter [tilespmem:s11], [sflag:$0x5], $0x8000, $0x38;
	[tilespmem:$0x18000] =	vst v63  }
0xb5: {  	_ = 	snop  }
0xb6: {  	[hbm4b:s8+s2] =	stream.linear.scatter [tilespmem:s11], [sflag:$0x5], $0x8000, $0x38;
	[tilespmem:$0x18000] =	vst v63  }
0xb7: {  	_ = 	snop  }
0xb8: {  	[hbm4b:s9+s2] =	stream.linear.scatter [tilespmem:s11], [sflag:$0x5], $0x8000, $0x38;
	[tilespmem:$0x18000] =	vst v63  }
0xb9: {  	_ =	swait.ge [sflag:s5], $0x8000  }
0xba: {  	[sflag:s5] =	ssyncset.done $0x0  }
0xbb: {  	[sflag:s5] =	ssyncadd.s32 $0xFFFF8000  }
0xbc: {  	_ =	swait.ge [sflag:s5], $0x8000  }
0xbd: {  	[sflag:s5] =	ssyncset.done $0x0  }
0xbe: {  	[sflag:s5] =	ssyncadd.s32 $0xFFFF8000  }
0xbf: {  	_ =	swait.ge [sflag:s5], $0x8000  }
0xc0: {  	[sflag:s5] =	ssyncset.done $0x0  }
0xc1: {  	[sflag:s5] =	ssyncadd.s32 $0xFFFF8000  }
0xc2: {  	_ =	swait.ge [sflag:s5], $0x8000  }
0xc3: {  	[sflag:s5] =	ssyncset.done $0x0  }
0xc4: {  	[sflag:s5] =	ssyncadd.s32 $0xFFFF8000  }
0xc5: {  	_ =	swait.ge [sflag:s4], $0x8000  }
0xc6: {  	[sflag:s4] =	ssyncset.done $0x0  }
0xc7: {  	[sflag:s4] =	ssyncadd.s32 $0xFFFF8000  }
0xc8: {  	_ =	swait.ge [sflag:s4], $0x8000  }
0xc9: {  	[sflag:s4] =	ssyncset.done $0x0  }
0xca: {  	[sflag:s4] =	ssyncadd.s32 $0xFFFF8000  }
0xcb: {  	_ =	swait.ge [sflag:s4], $0x8000  }
0xcc: {  	[sflag:s4] =	ssyncset.done $0x0  }
0xcd: {  	[sflag:s4] =	ssyncadd.s32 $0xFFFF8000  }
0xce: {  	_ =	swait.ge [sflag:s4], $0x8000  }
0xcf: {  	[sflag:s4] =	ssyncset.done $0x0  }
0xd0: {  	[sflag:s4] =	ssyncadd.s32 $0xFFFF8000  }
0xd1: {  	_ =	swait.ge [sflag:s3], $0x8000  }
0xd2: {  	[sflag:s3] =	ssyncset.done $0x0  }
0xd3: {  	[sflag:s3] =	ssyncadd.s32 $0xFFFF8000  }
0xd4: {  	_ =	swait.ge [sflag:s3], $0x8000  }
0xd5: {  	[sflag:s3] =	ssyncset.done $0x0  }
0xd6: {  	[sflag:s3] =	ssyncadd.s32 $0xFFFF8000  }
0xd7: {  	_ =	swait.ge [sflag:s3], $0x8000  }
0xd8: {  	s1 =	rddreg [dreg:$0x17]  }
0xd9: {  	p1 =	sne.s32 s1, $0x1  }
.Ltmp1:
0xda: {  	_ = 	snop;
	(pc) =	sbr.rel @!p1 .LBB2_3-.Ltmp1, $4  }
0xdb: {  	[sflag:s3] =	ssyncset.done $0x0  }
0xdc: {  	[sflag:s3] =	ssyncadd.s32 $0xFFFF8000  }
0xdd: {  	p0 =	por $0x1, $0x1;
	_ =	swait.ge [sflag:s3], $0x8000  }
0xde: {  	s0 =	sadd.s32 $0xFFFFFFFF, s1;
	s1 =	rddreg [dreg:$0x3];
	[sflag:s3] =	ssyncset.done $0x0  }
.LBB2_2:
0xdf: {  	[sflag:s3] =	ssyncadd.s32 $0xFFFF8000  }
0xe0: {  	[tilespmem:s2], [sflag:$0x1] =	stream.linear.gather [hbm4b:s1+s2], $0x8000, $0x38;
	[tilespmem:$0x18000] =	vst v63  }
0xe1: {  	_ =	swait.ge [sflag:s18], $0x8000  }
0xe2: {  	[sflag:s18] =	ssyncset.done $0x0  }
0xe3: {  	s30 =	smov.u32 s31;
	[sflag:s18] =	ssyncadd.s32 $0xFFFF8000  }
0xe4: {  	[hbm4b:s31+s2] =	stream.linear.scatter [tilespmem:s2], [sflag:$0x4], $0x8000, $0x38;
	[tilespmem:$0x18000] =	vst v63  }
0xe5: {  	s1 =	rddreg [dreg:$0x4];
	s31 =	smov.u32 s28;
	s28 =	smov.u32 s26  }
0xe6: {  	s26 =	smov.u32 s25;
	s25 =	smov.u32 s24;
	s24 =	smov.u32 s23  }
0xe7: {  	s23 =	smov.u32 s22;
	s22 =	smov.u32 s21;
	s21 =	smov.u32 s20  }
0xe8: {  	s20 =	smov.u32 s19;
	s19 =	smov.u32 s17;
	s17 =	smov.u32 s16  }
0xe9: {  	s16 =	smov.u32 s15;
	s15 =	smov.u32 s14;
	s14 =	smov.u32 s13  }
0xea: {  	s13 =	smov.u32 s10;
	s10 =	smov.u32 s9;
	s9 =	smov.u32 s8  }
0xeb: {  	[hbm4b:s1+s2] =	stream.linear.scatter [tilespmem:s2], [sflag:$0x4], $0x8000, $0x38;
	[tilespmem:$0x18000] =	vst v63  }
0xec: {  	s8 =	smov.u32 s7;
	s7 =	smov.u32 s6;
	s6 =	rddreg [dreg:$0x5]  }
0xed: {  	[hbm4b:s6+s2] =	stream.linear.scatter [tilespmem:s2], [sflag:$0x4], $0x8000, $0x38;
	[tilespmem:$0x18000] =	vst v63  }
0xee: {  	s1 =	rddreg [dreg:$0x6]  }
0xef: {  	[hbm4b:s1+s2] =	stream.linear.scatter [tilespmem:s2], [sflag:$0x4], $0x8000, $0x38;
	[tilespmem:$0x18000] =	vst v63  }
0xf0: {  	s18 =	simm.s32 $0x2;
	s6 =	rddreg [dreg:$0x7]  }
0xf1: {  	[tilespmem:s11], [sflag:$0x2] =	stream.linear.gather [hbm4b:s6+s2], $0x8000, $0x38;
	[tilespmem:$0x18000] =	vst v63  }
0xf2: {  	_ =	swait.ge [sflag:s18], $0x8000  }
0xf3: {  	[sflag:s18] =	ssyncset.done $0x0  }
0xf4: {  	s1 =	rddreg [dreg:$0x8];
	[sflag:s18] =	ssyncadd.s32 $0xFFFF8000  }
0xf5: {  	[hbm4b:s1+s2] =	stream.linear.scatter [tilespmem:s11], [sflag:$0x5], $0x8000, $0x38;
	[tilespmem:$0x18000] =	vst v63  }
0xf6: {  	s6 =	rddreg [dreg:$0x9]  }
0xf7: {  	[hbm4b:s6+s2] =	stream.linear.scatter [tilespmem:s11], [sflag:$0x5], $0x8000, $0x38;
	[tilespmem:$0x18000] =	vst v63  }
0xf8: {  	s1 =	rddreg [dreg:$0xa]  }
0xf9: {  	[hbm4b:s1+s2] =	stream.linear.scatter [tilespmem:s11], [sflag:$0x5], $0x8000, $0x38;
	[tilespmem:$0x18000] =	vst v63  }
0xfa: {  	s6 =	rddreg [dreg:$0xb]  }
0xfb: {  	[hbm4b:s6+s2] =	stream.linear.scatter [tilespmem:s11], [sflag:$0x5], $0x8000, $0x38;
	[tilespmem:$0x18000] =	vst v63  }
0xfc: {  	s12 =	simm.s32 $0x3;
	s1 =	rddreg [dreg:$0xc]  }
0xfd: {  	[tilespmem:s29], [sflag:$0x3] =	stream.linear.gather [hbm4b:s1+s2], $0x8000, $0x38;
	[tilespmem:$0x18000] =	vst v63  }
0xfe: {  	_ =	swait.ge [sflag:s12], $0x8000  }
0xff: {  	[sflag:s12] =	ssyncset.done $0x0  }
0x100: {  	s1 =	rddreg [dreg:$0xd];
	[sflag:s12] =	ssyncadd.s32 $0xFFFF8000  }
0x101: {  	[hbm4b:s1+s2] =	stream.linear.scatter [tilespmem:s29], [sflag:$0x6], $0x8000, $0x38;
	[tilespmem:$0x18000] =	vst v63  }
0x102: {  	s6 =	rddreg [dreg:$0xe]  }
0x103: {  	[hbm4b:s6+s2] =	stream.linear.scatter [tilespmem:s29], [sflag:$0x6], $0x8000, $0x38;
	[tilespmem:$0x18000] =	vst v63  }
0x104: {  	s1 =	rddreg [dreg:$0xf]  }
0x105: {  	[hbm4b:s1+s2] =	stream.linear.scatter [tilespmem:s29], [sflag:$0x6], $0x8000, $0x38;
	[tilespmem:$0x18000] =	vst v63  }
0x106: {  	s6 =	rddreg [dreg:$0x10]  }
0x107: {  	[hbm4b:s6+s2] =	stream.linear.scatter [tilespmem:s29], [sflag:$0x6], $0x8000, $0x38;
	[tilespmem:$0x18000] =	vst v63  }
0x108: {  	_ =	swait.ge [sflag:s5], $0x8000  }
0x109: {  	[sflag:s5] =	ssyncset.done $0x0  }
0x10a: {  	[sflag:s5] =	ssyncadd.s32 $0xFFFF8000  }
0x10b: {  	_ =	swait.ge [sflag:s5], $0x8000  }
0x10c: {  	[sflag:s5] =	ssyncset.done $0x0  }
0x10d: {  	[sflag:s5] =	ssyncadd.s32 $0xFFFF8000  }
0x10e: {  	_ =	swait.ge [sflag:s5], $0x8000  }
0x10f: {  	[sflag:s5] =	ssyncset.done $0x0  }
0x110: {  	[sflag:s5] =	ssyncadd.s32 $0xFFFF8000  }
0x111: {  	_ =	swait.ge [sflag:s5], $0x8000  }
0x112: {  	[sflag:s5] =	ssyncset.done $0x0  }
0x113: {  	s18 =	simm.s32 $0x1;
	s6 =	rddreg [dreg:$0x11];
	[sflag:s5] =	ssyncadd.s32 $0xFFFF8000  }
0x114: {  	[tilespmem:s2], [sflag:$0x1] =	stream.linear.gather [hbm4b:s6+s2], $0x8000, $0x38;
	[tilespmem:$0x18000] =	vst v63  }
0x115: {  	_ =	swait.ge [sflag:s18], $0x8000  }
0x116: {  	[sflag:s18] =	ssyncset.done $0x0  }
0x117: {  	s1 =	rddreg [dreg:$0x12];
	[sflag:s18] =	ssyncadd.s32 $0xFFFF8000  }
0x118: {  	[hbm4b:s1+s2] =	stream.linear.scatter [tilespmem:s2], [sflag:$0x4], $0x8000, $0x38;
	[tilespmem:$0x18000] =	vst v63  }
0x119: {  	s6 =	rddreg [dreg:$0x13]  }
0x11a: {  	[hbm4b:s6+s2] =	stream.linear.scatter [tilespmem:s2], [sflag:$0x4], $0x8000, $0x38;
	[tilespmem:$0x18000] =	vst v63  }
0x11b: {  	s1 =	rddreg [dreg:$0x14]  }
0x11c: {  	[hbm4b:s1+s2] =	stream.linear.scatter [tilespmem:s2], [sflag:$0x4], $0x8000, $0x38;
	[tilespmem:$0x18000] =	vst v63  }
0x11d: {  	s6 =	rddreg [dreg:$0x15]  }
0x11e: {  	[hbm4b:s6+s2] =	stream.linear.scatter [tilespmem:s2], [sflag:$0x4], $0x8000, $0x38;
	[tilespmem:$0x18000] =	vst v63  }
0x11f: {  	_ =	swait.ge [sflag:s4], $0x8000  }
0x120: {  	[sflag:s4] =	ssyncset.done $0x0  }
0x121: {  	[sflag:s4] =	ssyncadd.s32 $0xFFFF8000  }
0x122: {  	_ =	swait.ge [sflag:s4], $0x8000  }
0x123: {  	[sflag:s4] =	ssyncset.done $0x0  }
0x124: {  	[sflag:s4] =	ssyncadd.s32 $0xFFFF8000  }
0x125: {  	s12 =	simm.s32 $0x2;
	s6 =	smov.u32 s7;
	_ =	swait.ge [sflag:s4], $0x8000  }
0x126: {  	s7 =	smov.u32 s8;
	s8 =	smov.u32 s9;
	[sflag:s4] =	ssyncset.done $0x0  }
0x127: {  	s9 =	smov.u32 s10;
	s10 =	smov.u32 s13;
	[sflag:s4] =	ssyncadd.s32 $0xFFFF8000  }
0x128: {  	s13 =	smov.u32 s14;
	s14 =	smov.u32 s15;
	_ =	swait.ge [sflag:s4], $0x8000  }
0x129: {  	s15 =	smov.u32 s16;
	s16 =	smov.u32 s17;
	[sflag:s4] =	ssyncset.done $0x0  }
0x12a: {  	s17 =	smov.u32 s19;
	s1 =	rddreg [dreg:$0x16];
	[sflag:s4] =	ssyncadd.s32 $0xFFFF8000  }
0x12b: {  	[tilespmem:s11], [sflag:$0x2] =	stream.linear.gather [hbm4b:s1+s2], $0x8000, $0x38;
	[tilespmem:$0x18000] =	vst v63  }
0x12c: {  	s19 =	smov.u32 s20;
	s20 =	smov.u32 s21;
	_ =	swait.ge [sflag:s12], $0x8000  }
0x12d: {  	s21 =	smov.u32 s22;
	s22 =	smov.u32 s23;
	[sflag:s12] =	ssyncset.done $0x0  }
0x12e: {  	s23 =	smov.u32 s24;
	s24 =	smov.u32 s25;
	[sflag:s12] =	ssyncadd.s32 $0xFFFF8000  }
0x12f: {  	[hbm4b:s24+s2] =	stream.linear.scatter [tilespmem:s11], [sflag:$0x5], $0x8000, $0x38;
	[tilespmem:$0x18000] =	vst v63  }
0x130: {  	s25 =	smov.u32 s26  }
0x131: {  	[hbm4b:s25+s2] =	stream.linear.scatter [tilespmem:s11], [sflag:$0x5], $0x8000, $0x38;
	[tilespmem:$0x18000] =	vst v63  }
0x132: {  	s26 =	smov.u32 s28  }
0x133: {  	[hbm4b:s26+s2] =	stream.linear.scatter [tilespmem:s11], [sflag:$0x5], $0x8000, $0x38;
	[tilespmem:$0x18000] =	vst v63  }
0x134: {  	s28 =	smov.u32 s31  }
0x135: {  	[hbm4b:s28+s2] =	stream.linear.scatter [tilespmem:s11], [sflag:$0x5], $0x8000, $0x38;
	[tilespmem:$0x18000] =	vst v63  }
0x136: {  	_ =	swait.ge [sflag:s3], $0x8000  }
0x137: {  	[sflag:s3] =	ssyncset.done $0x0  }
0x138: {  	[sflag:s3] =	ssyncadd.s32 $0xFFFF8000  }
0x139: {  	_ =	swait.ge [sflag:s3], $0x8000  }
0x13a: {  	[sflag:s3] =	ssyncset.done $0x0  }
0x13b: {  	[sflag:s3] =	ssyncadd.s32 $0xFFFF8000  }
0x13c: {  	_ =	swait.ge [sflag:s3], $0x8000  }
0x13d: {  	[sflag:s3] =	ssyncset.done $0x0  }
0x13e: {  	[sflag:s3] =	ssyncadd.s32 $0xFFFF8000  }
0x13f: {  	_ =	swait.ge [sflag:s3], $0x8000  }
0x140: {  	[sflag:s3] =	ssyncset.done $0x0  }
0x141: {  	s31 =	smov.u32 s30;
	s30 =	simm.s32 $0x3;
	[sflag:s3] =	ssyncadd.s32 $0xFFFF8000  }
0x142: {  	[tilespmem:s29], [sflag:$0x3] =	stream.linear.gather [hbm4b:s23+s2], $0x8000, $0x38;
	[tilespmem:$0x18000] =	vst v63  }
0x143: {  	_ =	swait.ge [sflag:s30], $0x8000  }
0x144: {  	[sflag:s30] =	ssyncset.done $0x0  }
0x145: {  	[sflag:s30] =	ssyncadd.s32 $0xFFFF8000  }
0x146: {  	[hbm4b:s19+s2] =	stream.linear.scatter [tilespmem:s29], [sflag:$0x6], $0x8000, $0x38;
	[tilespmem:$0x18000] =	vst v63  }
0x147: {  	_ = 	snop  }
0x148: {  	[hbm4b:s20+s2] =	stream.linear.scatter [tilespmem:s29], [sflag:$0x6], $0x8000, $0x38;
	[tilespmem:$0x18000] =	vst v63  }
0x149: {  	_ = 	snop  }
0x14a: {  	[hbm4b:s21+s2] =	stream.linear.scatter [tilespmem:s29], [sflag:$0x6], $0x8000, $0x38;
	[tilespmem:$0x18000] =	vst v63  }
0x14b: {  	_ = 	snop  }
0x14c: {  	[hbm4b:s22+s2] =	stream.linear.scatter [tilespmem:s29], [sflag:$0x6], $0x8000, $0x38;
	[tilespmem:$0x18000] =	vst v63  }
0x14d: {  	_ =	swait.ge [sflag:s5], $0x8000  }
0x14e: {  	[sflag:s5] =	ssyncset.done $0x0  }
0x14f: {  	[sflag:s5] =	ssyncadd.s32 $0xFFFF8000  }
0x150: {  	_ =	swait.ge [sflag:s5], $0x8000  }
0x151: {  	[sflag:s5] =	ssyncset.done $0x0  }
0x152: {  	[sflag:s5] =	ssyncadd.s32 $0xFFFF8000  }
0x153: {  	_ =	swait.ge [sflag:s5], $0x8000  }
0x154: {  	[sflag:s5] =	ssyncset.done $0x0  }
0x155: {  	[sflag:s5] =	ssyncadd.s32 $0xFFFF8000  }
0x156: {  	_ =	swait.ge [sflag:s5], $0x8000  }
0x157: {  	[sflag:s5] =	ssyncset.done $0x0  }
0x158: {  	[sflag:s5] =	ssyncadd.s32 $0xFFFF8000  }
0x159: {  	[tilespmem:s2], [sflag:$0x1] =	stream.linear.gather [hbm4b:s17+s2], $0x8000, $0x38;
	[tilespmem:$0x18000] =	vst v63  }
0x15a: {  	_ =	swait.ge [sflag:s18], $0x8000  }
0x15b: {  	[sflag:s18] =	ssyncset.done $0x0  }
0x15c: {  	[sflag:s18] =	ssyncadd.s32 $0xFFFF8000  }
0x15d: {  	[hbm4b:s13+s2] =	stream.linear.scatter [tilespmem:s2], [sflag:$0x4], $0x8000, $0x38;
	[tilespmem:$0x18000] =	vst v63  }
0x15e: {  	_ = 	snop  }
0x15f: {  	[hbm4b:s14+s2] =	stream.linear.scatter [tilespmem:s2], [sflag:$0x4], $0x8000, $0x38;
	[tilespmem:$0x18000] =	vst v63  }
0x160: {  	_ = 	snop  }
0x161: {  	[hbm4b:s15+s2] =	stream.linear.scatter [tilespmem:s2], [sflag:$0x4], $0x8000, $0x38;
	[tilespmem:$0x18000] =	vst v63  }
0x162: {  	_ = 	snop  }
0x163: {  	[hbm4b:s16+s2] =	stream.linear.scatter [tilespmem:s2], [sflag:$0x4], $0x8000, $0x38;
	[tilespmem:$0x18000] =	vst v63  }
0x164: {  	_ =	swait.ge [sflag:s4], $0x8000  }
0x165: {  	[sflag:s4] =	ssyncset.done $0x0  }
0x166: {  	[sflag:s4] =	ssyncadd.s32 $0xFFFF8000  }
0x167: {  	_ =	swait.ge [sflag:s4], $0x8000  }
0x168: {  	[sflag:s4] =	ssyncset.done $0x0  }
0x169: {  	[sflag:s4] =	ssyncadd.s32 $0xFFFF8000  }
0x16a: {  	_ =	swait.ge [sflag:s4], $0x8000  }
0x16b: {  	[sflag:s4] =	ssyncset.done $0x0  }
0x16c: {  	[sflag:s4] =	ssyncadd.s32 $0xFFFF8000  }
0x16d: {  	_ =	swait.ge [sflag:s4], $0x8000  }
0x16e: {  	[sflag:s4] =	ssyncset.done $0x0  }
0x16f: {  	[sflag:s4] =	ssyncadd.s32 $0xFFFF8000  }
0x170: {  	[tilespmem:s11], [sflag:$0x2] =	stream.linear.gather [hbm4b:s10+s2], $0x8000, $0x38;
	[tilespmem:$0x18000] =	vst v63  }
0x171: {  	_ =	swait.ge [sflag:s12], $0x8000  }
0x172: {  	[sflag:s12] =	ssyncset.done $0x0  }
0x173: {  	[sflag:s12] =	ssyncadd.s32 $0xFFFF8000  }
0x174: {  	[hbm4b:s6+s2] =	stream.linear.scatter [tilespmem:s11], [sflag:$0x5], $0x8000, $0x38;
	[tilespmem:$0x18000] =	vst v63  }
0x175: {  	_ = 	snop  }
0x176: {  	[hbm4b:s7+s2] =	stream.linear.scatter [tilespmem:s11], [sflag:$0x5], $0x8000, $0x38;
	[tilespmem:$0x18000] =	vst v63  }
0x177: {  	_ = 	snop  }
0x178: {  	[hbm4b:s8+s2] =	stream.linear.scatter [tilespmem:s11], [sflag:$0x5], $0x8000, $0x38;
	[tilespmem:$0x18000] =	vst v63  }
0x179: {  	_ = 	snop  }
0x17a: {  	[hbm4b:s9+s2] =	stream.linear.scatter [tilespmem:s11], [sflag:$0x5], $0x8000, $0x38;
	[tilespmem:$0x18000] =	vst v63  }
0x17b: {  	_ =	swait.ge [sflag:s5], $0x8000  }
0x17c: {  	[sflag:s5] =	ssyncset.done $0x0  }
0x17d: {  	[sflag:s5] =	ssyncadd.s32 $0xFFFF8000  }
0x17e: {  	_ =	swait.ge [sflag:s5], $0x8000  }
0x17f: {  	[sflag:s5] =	ssyncset.done $0x0  }
0x180: {  	[sflag:s5] =	ssyncadd.s32 $0xFFFF8000  }
0x181: {  	_ =	swait.ge [sflag:s5], $0x8000  }
0x182: {  	[sflag:s5] =	ssyncset.done $0x0  }
0x183: {  	[sflag:s5] =	ssyncadd.s32 $0xFFFF8000  }
0x184: {  	_ =	swait.ge [sflag:s5], $0x8000  }
0x185: {  	[sflag:s5] =	ssyncset.done $0x0  }
0x186: {  	[sflag:s5] =	ssyncadd.s32 $0xFFFF8000  }
0x187: {  	_ =	swait.ge [sflag:s4], $0x8000  }
0x188: {  	[sflag:s4] =	ssyncset.done $0x0  }
0x189: {  	[sflag:s4] =	ssyncadd.s32 $0xFFFF8000  }
0x18a: {  	_ =	swait.ge [sflag:s4], $0x8000  }
0x18b: {  	[sflag:s4] =	ssyncset.done $0x0  }
0x18c: {  	[sflag:s4] =	ssyncadd.s32 $0xFFFF8000  }
0x18d: {  	_ =	swait.ge [sflag:s4], $0x8000  }
0x18e: {  	[sflag:s4] =	ssyncset.done $0x0  }
0x18f: {  	[sflag:s4] =	ssyncadd.s32 $0xFFFF8000  }
0x190: {  	_ =	swait.ge [sflag:s4], $0x8000  }
0x191: {  	[sflag:s4] =	ssyncset.done $0x0  }
0x192: {  	[sflag:s4] =	ssyncadd.s32 $0xFFFF8000  }
0x193: {  	_ =	swait.ge [sflag:s3], $0x8000  }
0x194: {  	[sflag:s3] =	ssyncset.done $0x0  }
0x195: {  	[sflag:s3] =	ssyncadd.s32 $0xFFFF8000  }
0x196: {  	_ =	swait.ge [sflag:s3], $0x8000  }
0x197: {  	[sflag:s3] =	ssyncset.done $0x0  }
0x198: {  	p1 =	sne.s32 s0, $0x1;
	[sflag:s3] =	ssyncadd.s32 $0xFFFF8000  }
.Ltmp2:
0x199: {  	_ =	swait.ge [sflag:s3], $0x8000;
	(pc) =	sbr.rel @p1 .LBB2_2-.Ltmp2, $4  }
0x19a: {  	[sflag:s3] =	ssyncset.done $0x0  }
0x19b: {  	[sflag:s3] =	ssyncadd.s32 $0xFFFF8000  }
0x19c: {  	_ =	swait.ge [sflag:s3], $0x8000  }
0x19d: {  	s0 =	sadd.s32 $0xFFFFFFFF, s0;
	s1 =	rddreg [dreg:$0x3];
	[sflag:s3] =	ssyncset.done $0x0  }
.LBB2_3:
0x19e: {  	[sflag:s3] =	ssyncadd.s32 @p0 $0xFFFF8000  }
0x19f: {  	[tilespmem:s2], [sflag:$0x1] =	stream.linear.gather [hbm4b:s1+s2], $0x8000, $0x38;
	[tilespmem:$0x18000] =	vst v63  }
0x1a0: {  	_ =	swait.ge [sflag:s18], $0x8000  }
0x1a1: {  	[sflag:s18] =	ssyncset.done $0x0  }
0x1a2: {  	[sflag:s18] =	ssyncadd.s32 $0xFFFF8000  }
0x1a3: {  	[hbm4b:s31+s2] =	stream.linear.scatter [tilespmem:s2], [sflag:$0x4], $0x8000, $0x38;
	[tilespmem:$0x18000] =	vst v63  }
0x1a4: {  	s0 =	rddreg [dreg:$0x4]  }
0x1a5: {  	[hbm4b:s0+s2] =	stream.linear.scatter [tilespmem:s2], [sflag:$0x4], $0x8000, $0x38;
	[tilespmem:$0x18000] =	vst v63  }
0x1a6: {  	s31 =	rddreg [dreg:$0x5]  }
0x1a7: {  	[hbm4b:s31+s2] =	stream.linear.scatter [tilespmem:s2], [sflag:$0x4], $0x8000, $0x38;
	[tilespmem:$0x18000] =	vst v63  }
0x1a8: {  	s0 =	rddreg [dreg:$0x6]  }
0x1a9: {  	[hbm4b:s0+s2] =	stream.linear.scatter [tilespmem:s2], [sflag:$0x4], $0x8000, $0x38;
	[tilespmem:$0x18000] =	vst v63  }
0x1aa: {  	s31 =	rddreg [dreg:$0x7]  }
0x1ab: {  	[tilespmem:s11], [sflag:$0x2] =	stream.linear.gather [hbm4b:s31+s2], $0x8000, $0x38;
	[tilespmem:$0x18000] =	vst v63  }
0x1ac: {  	_ =	swait.ge [sflag:s12], $0x8000  }
0x1ad: {  	[sflag:s12] =	ssyncset.done $0x0  }
0x1ae: {  	s31 =	rddreg [dreg:$0x8];
	[sflag:s12] =	ssyncadd.s32 $0xFFFF8000  }
0x1af: {  	[hbm4b:s31+s2] =	stream.linear.scatter [tilespmem:s11], [sflag:$0x5], $0x8000, $0x38;
	[tilespmem:$0x18000] =	vst v63  }
0x1b0: {  	s1 =	rddreg [dreg:$0x9]  }
0x1b1: {  	[hbm4b:s1+s2] =	stream.linear.scatter [tilespmem:s11], [sflag:$0x5], $0x8000, $0x38;
	[tilespmem:$0x18000] =	vst v63  }
0x1b2: {  	s31 =	rddreg [dreg:$0xa]  }
0x1b3: {  	[hbm4b:s31+s2] =	stream.linear.scatter [tilespmem:s11], [sflag:$0x5], $0x8000, $0x38;
	[tilespmem:$0x18000] =	vst v63  }
0x1b4: {  	s1 =	rddreg [dreg:$0xb]  }
0x1b5: {  	[hbm4b:s1+s2] =	stream.linear.scatter [tilespmem:s11], [sflag:$0x5], $0x8000, $0x38;
	[tilespmem:$0x18000] =	vst v63  }
0x1b6: {  	s31 =	rddreg [dreg:$0xc]  }
0x1b7: {  	[tilespmem:s29], [sflag:$0x3] =	stream.linear.gather [hbm4b:s31+s2], $0x8000, $0x38;
	[tilespmem:$0x18000] =	vst v63  }
0x1b8: {  	_ =	swait.ge [sflag:s30], $0x8000  }
0x1b9: {  	[sflag:s30] =	ssyncset.done $0x0  }
0x1ba: {  	s1 =	rddreg [dreg:$0xd];
	[sflag:s30] =	ssyncadd.s32 $0xFFFF8000  }
0x1bb: {  	[hbm4b:s1+s2] =	stream.linear.scatter [tilespmem:s29], [sflag:$0x6], $0x8000, $0x38;
	[tilespmem:$0x18000] =	vst v63  }
0x1bc: {  	s31 =	rddreg [dreg:$0xe]  }
0x1bd: {  	[hbm4b:s31+s2] =	stream.linear.scatter [tilespmem:s29], [sflag:$0x6], $0x8000, $0x38;
	[tilespmem:$0x18000] =	vst v63  }
0x1be: {  	s0 =	rddreg [dreg:$0xf]  }
0x1bf: {  	[hbm4b:s0+s2] =	stream.linear.scatter [tilespmem:s29], [sflag:$0x6], $0x8000, $0x38;
	[tilespmem:$0x18000] =	vst v63  }
0x1c0: {  	s31 =	rddreg [dreg:$0x10]  }
0x1c1: {  	[hbm4b:s31+s2] =	stream.linear.scatter [tilespmem:s29], [sflag:$0x6], $0x8000, $0x38;
	[tilespmem:$0x18000] =	vst v63  }
0x1c2: {  	_ =	swait.ge [sflag:s5], $0x8000  }
0x1c3: {  	[sflag:s5] =	ssyncset.done $0x0  }
0x1c4: {  	[sflag:s5] =	ssyncadd.s32 $0xFFFF8000  }
0x1c5: {  	_ =	swait.ge [sflag:s5], $0x8000  }
0x1c6: {  	[sflag:s5] =	ssyncset.done $0x0  }
0x1c7: {  	[sflag:s5] =	ssyncadd.s32 $0xFFFF8000  }
0x1c8: {  	_ =	swait.ge [sflag:s5], $0x8000  }
0x1c9: {  	[sflag:s5] =	ssyncset.done $0x0  }
0x1ca: {  	[sflag:s5] =	ssyncadd.s32 $0xFFFF8000  }
0x1cb: {  	_ =	swait.ge [sflag:s5], $0x8000  }
0x1cc: {  	[sflag:s5] =	ssyncset.done $0x0  }
0x1cd: {  	s31 =	rddreg [dreg:$0x11];
	[sflag:s5] =	ssyncadd.s32 $0xFFFF8000  }
0x1ce: {  	[tilespmem:s2], [sflag:$0x1] =	stream.linear.gather [hbm4b:s31+s2], $0x8000, $0x38;
	[tilespmem:$0x18000] =	vst v63  }
0x1cf: {  	_ =	swait.ge [sflag:s18], $0x8000  }
0x1d0: {  	[sflag:s18] =	ssyncset.done $0x0  }
0x1d1: {  	s1 =	rddreg [dreg:$0x12];
	[sflag:s18] =	ssyncadd.s32 $0xFFFF8000  }
0x1d2: {  	[hbm4b:s1+s2] =	stream.linear.scatter [tilespmem:s2], [sflag:$0x4], $0x8000, $0x38;
	[tilespmem:$0x18000] =	vst v63  }
0x1d3: {  	s31 =	rddreg [dreg:$0x13]  }
0x1d4: {  	[hbm4b:s31+s2] =	stream.linear.scatter [tilespmem:s2], [sflag:$0x4], $0x8000, $0x38;
	[tilespmem:$0x18000] =	vst v63  }
0x1d5: {  	s0 =	rddreg [dreg:$0x14]  }
0x1d6: {  	[hbm4b:s0+s2] =	stream.linear.scatter [tilespmem:s2], [sflag:$0x4], $0x8000, $0x38;
	[tilespmem:$0x18000] =	vst v63  }
0x1d7: {  	s31 =	rddreg [dreg:$0x15]  }
0x1d8: {  	[hbm4b:s31+s2] =	stream.linear.scatter [tilespmem:s2], [sflag:$0x4], $0x8000, $0x38;
	[tilespmem:$0x18000] =	vst v63  }
0x1d9: {  	_ =	swait.ge [sflag:s4], $0x8000  }
0x1da: {  	[sflag:s4] =	ssyncset.done $0x0  }
0x1db: {  	[sflag:s4] =	ssyncadd.s32 $0xFFFF8000  }
0x1dc: {  	_ =	swait.ge [sflag:s4], $0x8000  }
0x1dd: {  	[sflag:s4] =	ssyncset.done $0x0  }
0x1de: {  	[sflag:s4] =	ssyncadd.s32 $0xFFFF8000  }
0x1df: {  	_ =	swait.ge [sflag:s4], $0x8000  }
0x1e0: {  	[sflag:s4] =	ssyncset.done $0x0  }
0x1e1: {  	[sflag:s4] =	ssyncadd.s32 $0xFFFF8000  }
0x1e2: {  	_ =	swait.ge [sflag:s4], $0x8000  }
0x1e3: {  	[sflag:s4] =	ssyncset.done $0x0  }
0x1e4: {  	s1 =	rddreg [dreg:$0x16];
	[sflag:s4] =	ssyncadd.s32 $0xFFFF8000  }
0x1e5: {  	[tilespmem:s11], [sflag:$0x2] =	stream.linear.gather [hbm4b:s1+s2], $0x8000, $0x38;
	[tilespmem:$0x18000] =	vst v63  }
0x1e6: {  	_ =	swait.ge [sflag:s12], $0x8000  }
0x1e7: {  	[sflag:s12] =	ssyncset.done $0x0  }
0x1e8: {  	[sflag:s12] =	ssyncadd.s32 $0xFFFF8000  }
0x1e9: {  	[hbm4b:s24+s2] =	stream.linear.scatter [tilespmem:s11], [sflag:$0x5], $0x8000, $0x38;
	[tilespmem:$0x18000] =	vst v63  }
0x1ea: {  	_ = 	snop  }
0x1eb: {  	[hbm4b:s25+s2] =	stream.linear.scatter [tilespmem:s11], [sflag:$0x5], $0x8000, $0x38;
	[tilespmem:$0x18000] =	vst v63  }
0x1ec: {  	_ = 	snop  }
0x1ed: {  	[hbm4b:s26+s2] =	stream.linear.scatter [tilespmem:s11], [sflag:$0x5], $0x8000, $0x38;
	[tilespmem:$0x18000] =	vst v63  }
0x1ee: {  	_ = 	snop  }
0x1ef: {  	[hbm4b:s28+s2] =	stream.linear.scatter [tilespmem:s11], [sflag:$0x5], $0x8000, $0x38;
	[tilespmem:$0x18000] =	vst v63  }
0x1f0: {  	_ =	swait.ge [sflag:s3], $0x8000  }
0x1f1: {  	[sflag:s3] =	ssyncset.done $0x0  }
0x1f2: {  	[sflag:s3] =	ssyncadd.s32 $0xFFFF8000  }
0x1f3: {  	_ =	swait.ge [sflag:s3], $0x8000  }
0x1f4: {  	[sflag:s3] =	ssyncset.done $0x0  }
0x1f5: {  	[sflag:s3] =	ssyncadd.s32 $0xFFFF8000  }
0x1f6: {  	_ =	swait.ge [sflag:s3], $0x8000  }
0x1f7: {  	[sflag:s3] =	ssyncset.done $0x0  }
0x1f8: {  	[sflag:s3] =	ssyncadd.s32 $0xFFFF8000  }
0x1f9: {  	_ =	swait.ge [sflag:s3], $0x8000  }
0x1fa: {  	[sflag:s3] =	ssyncset.done $0x0  }
0x1fb: {  	[sflag:s3] =	ssyncadd.s32 $0xFFFF8000  }
0x1fc: {  	[tilespmem:s29], [sflag:$0x3] =	stream.linear.gather [hbm4b:s23+s2], $0x8000, $0x38;
	[tilespmem:$0x18000] =	vst v63  }
0x1fd: {  	_ =	swait.ge [sflag:s30], $0x8000  }
0x1fe: {  	[sflag:s30] =	ssyncset.done $0x0  }
0x1ff: {  	[sflag:s30] =	ssyncadd.s32 $0xFFFF8000  }
0x200: {  	[hbm4b:s19+s2] =	stream.linear.scatter [tilespmem:s29], [sflag:$0x6], $0x8000, $0x38;
	[tilespmem:$0x18000] =	vst v63  }
0x201: {  	_ = 	snop  }
0x202: {  	[hbm4b:s20+s2] =	stream.linear.scatter [tilespmem:s29], [sflag:$0x6], $0x8000, $0x38;
	[tilespmem:$0x18000] =	vst v63  }
0x203: {  	_ = 	snop  }
0x204: {  	[hbm4b:s21+s2] =	stream.linear.scatter [tilespmem:s29], [sflag:$0x6], $0x8000, $0x38;
	[tilespmem:$0x18000] =	vst v63  }
0x205: {  	_ = 	snop  }
0x206: {  	[hbm4b:s22+s2] =	stream.linear.scatter [tilespmem:s29], [sflag:$0x6], $0x8000, $0x38;
	[tilespmem:$0x18000] =	vst v63  }
0x207: {  	_ =	swait.ge [sflag:s5], $0x8000  }
0x208: {  	[sflag:s5] =	ssyncset.done $0x0  }
0x209: {  	[sflag:s5] =	ssyncadd.s32 $0xFFFF8000  }
0x20a: {  	_ =	swait.ge [sflag:s5], $0x8000  }
0x20b: {  	[sflag:s5] =	ssyncset.done $0x0  }
0x20c: {  	[sflag:s5] =	ssyncadd.s32 $0xFFFF8000  }
0x20d: {  	_ =	swait.ge [sflag:s5], $0x8000  }
0x20e: {  	[sflag:s5] =	ssyncset.done $0x0  }
0x20f: {  	[sflag:s5] =	ssyncadd.s32 $0xFFFF8000  }
0x210: {  	_ =	swait.ge [sflag:s5], $0x8000  }
0x211: {  	[sflag:s5] =	ssyncset.done $0x0  }
0x212: {  	[sflag:s5] =	ssyncadd.s32 $0xFFFF8000  }
0x213: {  	[tilespmem:s2], [sflag:$0x1] =	stream.linear.gather [hbm4b:s17+s2], $0x8000, $0x38;
	[tilespmem:$0x18000] =	vst v63  }
0x214: {  	_ =	swait.ge [sflag:s18], $0x8000  }
0x215: {  	[sflag:s18] =	ssyncset.done $0x0  }
0x216: {  	[sflag:s18] =	ssyncadd.s32 $0xFFFF8000  }
0x217: {  	[hbm4b:s13+s2] =	stream.linear.scatter [tilespmem:s2], [sflag:$0x4], $0x8000, $0x38;
	[tilespmem:$0x18000] =	vst v63  }
0x218: {  	_ = 	snop  }
0x219: {  	[hbm4b:s14+s2] =	stream.linear.scatter [tilespmem:s2], [sflag:$0x4], $0x8000, $0x38;
	[tilespmem:$0x18000] =	vst v63  }
0x21a: {  	_ = 	snop  }
0x21b: {  	[hbm4b:s15+s2] =	stream.linear.scatter [tilespmem:s2], [sflag:$0x4], $0x8000, $0x38;
	[tilespmem:$0x18000] =	vst v63  }
0x21c: {  	_ = 	snop  }
0x21d: {  	[hbm4b:s16+s2] =	stream.linear.scatter [tilespmem:s2], [sflag:$0x4], $0x8000, $0x38;
	[tilespmem:$0x18000] =	vst v63  }
0x21e: {  	_ =	swait.ge [sflag:s4], $0x8000  }
0x21f: {  	[sflag:s4] =	ssyncset.done $0x0  }
0x220: {  	[sflag:s4] =	ssyncadd.s32 $0xFFFF8000  }
0x221: {  	_ =	swait.ge [sflag:s4], $0x8000  }
0x222: {  	[sflag:s4] =	ssyncset.done $0x0  }
0x223: {  	[sflag:s4] =	ssyncadd.s32 $0xFFFF8000  }
0x224: {  	_ =	swait.ge [sflag:s4], $0x8000  }
0x225: {  	[sflag:s4] =	ssyncset.done $0x0  }
0x226: {  	[sflag:s4] =	ssyncadd.s32 $0xFFFF8000  }
0x227: {  	_ =	swait.ge [sflag:s4], $0x8000  }
0x228: {  	[sflag:s4] =	ssyncset.done $0x0  }
0x229: {  	[sflag:s4] =	ssyncadd.s32 $0xFFFF8000  }
0x22a: {  	[tilespmem:s11], [sflag:$0x2] =	stream.linear.gather [hbm4b:s10+s2], $0x8000, $0x38;
	[tilespmem:$0x18000] =	vst v63  }
0x22b: {  	_ =	swait.ge [sflag:s12], $0x8000  }
0x22c: {  	[sflag:s12] =	ssyncset.done $0x0  }
0x22d: {  	[sflag:s12] =	ssyncadd.s32 $0xFFFF8000  }
0x22e: {  	[hbm4b:s6+s2] =	stream.linear.scatter [tilespmem:s11], [sflag:$0x5], $0x8000, $0x38;
	[tilespmem:$0x18000] =	vst v63  }
0x22f: {  	_ = 	snop  }
0x230: {  	[hbm4b:s7+s2] =	stream.linear.scatter [tilespmem:s11], [sflag:$0x5], $0x8000, $0x38;
	[tilespmem:$0x18000] =	vst v63  }
0x231: {  	_ = 	snop  }
0x232: {  	[hbm4b:s8+s2] =	stream.linear.scatter [tilespmem:s11], [sflag:$0x5], $0x8000, $0x38;
	[tilespmem:$0x18000] =	vst v63  }
0x233: {  	_ = 	snop  }
0x234: {  	[hbm4b:s9+s2] =	stream.linear.scatter [tilespmem:s11], [sflag:$0x5], $0x8000, $0x38;
	[tilespmem:$0x18000] =	vst v63  }
0x235: {  	_ =	swait.ge [sflag:s5], $0x8000  }
0x236: {  	[sflag:s5] =	ssyncset.done $0x0  }
0x237: {  	[sflag:s5] =	ssyncadd.s32 $0xFFFF8000  }
0x238: {  	_ =	swait.ge [sflag:s5], $0x8000  }
0x239: {  	[sflag:s5] =	ssyncset.done $0x0  }
0x23a: {  	[sflag:s5] =	ssyncadd.s32 $0xFFFF8000  }
0x23b: {  	_ =	swait.ge [sflag:s5], $0x8000  }
0x23c: {  	[sflag:s5] =	ssyncset.done $0x0  }
0x23d: {  	[sflag:s5] =	ssyncadd.s32 $0xFFFF8000  }
0x23e: {  	_ =	swait.ge [sflag:s5], $0x8000  }
0x23f: {  	[sflag:s5] =	ssyncset.done $0x0  }
0x240: {  	[sflag:s5] =	ssyncadd.s32 $0xFFFF8000  }
0x241: {  	_ =	swait.ge [sflag:s4], $0x8000  }
0x242: {  	[sflag:s4] =	ssyncset.done $0x0  }
0x243: {  	[sflag:s4] =	ssyncadd.s32 $0xFFFF8000  }
0x244: {  	_ =	swait.ge [sflag:s4], $0x8000  }
0x245: {  	[sflag:s4] =	ssyncset.done $0x0  }
0x246: {  	[sflag:s4] =	ssyncadd.s32 $0xFFFF8000  }
0x247: {  	_ =	swait.ge [sflag:s4], $0x8000  }
0x248: {  	[sflag:s4] =	ssyncset.done $0x0  }
0x249: {  	[sflag:s4] =	ssyncadd.s32 $0xFFFF8000  }
0x24a: {  	_ =	swait.ge [sflag:s4], $0x8000  }
0x24b: {  	[sflag:s4] =	ssyncset.done $0x0  }
0x24c: {  	[sflag:s4] =	ssyncadd.s32 $0xFFFF8000  }
0x24d: {  	_ =	swait.ge [sflag:s3], $0x8000  }
0x24e: {  	[sflag:s3] =	ssyncset.done $0x0  }
0x24f: {  	[sflag:s3] =	ssyncadd.s32 $0xFFFF8000  }
0x250: {  	_ =	swait.ge [sflag:s3], $0x8000  }
0x251: {  	[sflag:s3] =	ssyncset.done $0x0  }
0x252: {  	[sflag:s3] =	ssyncadd.s32 $0xFFFF8000  }
0x253: {  	_ =	swait.ge [sflag:s3], $0x8000  }
0x254: {  	[sflag:s3] =	ssyncset.done $0x0  }
0x255: {  	[sflag:s3] =	ssyncadd.s32 $0xFFFF8000  }
0x256: {  	_ =	swait.ge [sflag:s3], $0x8000  }
0x257: {  	[sflag:s3] =	ssyncset.done $0x0  }
0x258: {  	[sflag:s3] =	ssyncadd.s32 $0xFFFF8000  }
0x259: {  	_ =	sfence.sel $0x180000  }
0x25a: {  	[bflag:$0x0] =	sbarrier.arrive $0xFFFF  }
0x25b: {  	_ =	strace $0x90000047  }
0x25c: {  	s31 =	stileid.u32;
	[bflag:$0x2] =	sbarrier.arrive $0xFFFF  }
0x25d: {  	p0 =	sne.s32 s31, $0x0;
	s0 =	rddreg [dreg:$0x2]  }
0x25e: {  	s0 =	sadd.s32 @!p0 $0x100000, s0  }
0x25f: {  	[sflag:s0] =	ssyncadd.tile.s32 @!p0 $0x1;
	_ =	shalt  }
.Lfunc_end2:
_tile_overlayer_lowered:
.L_overlay_start_2:
0x260: {  	(tag) =	ssettag $0x2  }
0x261: {  	s0 =	rddreg [dreg:$0x0];
	s2 =	stileid.u32  }
0x262: {  	s1 =	rddreg [dreg:$0x1];
	p0 =	sne.s32 s2, $0x0  }
0x263: {  	s3 =	rddreg [dreg:$0x2];
	[bflag:$0x3] =	sbarrier.arrive $0xFFFF;
	s2 =	simm.s32 @!p0 $0x1C07  }
0x264: {  	[timem:s3], [sflag:s2] =	dma.local @!p0 [hbm:s0], s1  }
0x265: {  	s0 =	simm.s32 @!p0 $0x7  }
0x266: {  	_ =	swait.ge @!p0 [sflag:s0], s1  }
0x267: {  	s1 =	ssub.s32 @!p0 $0x0, s1;
	[sflag:s0] =	ssyncset.done @!p0 $0x0  }
0x268: {  	[sflag:s0] =	ssyncadd.s32 @!p0 s1  }
0x269: {  	[bflag:$0x3] =	sbarrier.arrive $0xFFFF  }
0x26a: {  	_ =	shalt  }

</sc_bundles>
